<compile_context>
chip_gen: v7x
topology: tpu7x:2x2x1
jax: 0.10.2.dev20260603
libtpu: 0.0.44.dev20260713+nightly
codegen_flags: <defaults>
</compile_context>

<pallas_src>
import functools

import jax
import jax.numpy as jnp
from jax import lax
from jax.experimental import pallas as pl
from jax.experimental.pallas import tpu as pltpu
from jax.experimental.pallas import tpu_sc as plsc

B, T, S, D = 4, 2048, 2048, 1024
_L = 16



def _sc_cols_phase(inp_hbm, idx_hbm, toks_v, cols_v, cid, sid):
    @pl.when(sid < 2)
    def _():
        b = cid + 2 * sid
        pltpu.sync_copy(inp_hbm.at[pl.ds(b * T, T)], toks_v)

        def step(k, carry):
            x = toks_v[pl.ds(k * _L, _L)]
            m = jnp.minimum(jnp.maximum(3 - x, 0), 1)
            gidx = lax.iota(jnp.int32, _L) + k * _L
            m = m * jnp.minimum(gidx, 1)
            c = plsc.cumsum(m) + carry
            col = gidx - c - 1
            sign = lax.shift_right_arithmetic(col, 31)
            col = col - sign * S
            col = col * jnp.minimum(gidx, 1)
            cols_v[pl.ds(k * _L, _L)] = col + b * S
            return jnp.max(c)

        lax.fori_loop(0, T // _L, step, jnp.int32(0))
        pltpu.sync_copy(cols_v, idx_hbm.at[pl.ds(b * T, T)])



_GCH = 32


def _sc_colgather_body(inp_hbm, ctx_hbm, idx_hbm, mix_hbm, toks_v, cols_v,
                       idx_v, rows_v0, rows_v1, g0, g1, o0, o1):
    cid = lax.axis_index("c")
    sid = lax.axis_index("s")
    _sc_cols_phase(inp_hbm, idx_hbm, toks_v, cols_v, cid, sid)
    plsc.subcore_barrier()
    rows_per_w = (B * T) // 32
    nch = rows_per_w // _GCH
    base = jnp.where(sid < 8,
                     cid * T + sid * rows_per_w,
                     (cid + 2) * T + (sid - 8) * rows_per_w)
    pltpu.sync_copy(idx_hbm.at[pl.ds(base, rows_per_w)], idx_v)
    bufs = (rows_v0, rows_v1)
    gsem = (g0, g1)
    osem = (o0, o1)
    gather_cp = [None, None]
    out_cp = [None, None]

    def start_gather(ch):
        buf = ch % 2
        gather_cp[buf] = pltpu.async_copy(
            ctx_hbm.at[idx_v.at[pl.ds(ch * _GCH, _GCH)]], bufs[buf], gsem[buf])

    start_gather(0)
    for ch in range(nch):
        buf = ch % 2
        if ch + 1 < nch:
            if out_cp[1 - buf] is not None:
                out_cp[1 - buf].wait()
                out_cp[1 - buf] = None
            start_gather(ch + 1)
        gather_cp[buf].wait()
        out_cp[buf] = pltpu.async_copy(
            bufs[buf], mix_hbm.at[pl.ds(base + ch * _GCH, _GCH)], osem[buf])
    for buf in range(2):
        if out_cp[buf] is not None:
            out_cp[buf].wait()


def _sc_colgather(inp_flat, ctx2d):
    mesh = plsc.VectorSubcoreMesh(core_axis_name="c", subcore_axis_name="s")
    fn = functools.partial(
        pl.kernel,
        mesh=mesh,
        out_type=(
            jax.ShapeDtypeStruct((B * T,), jnp.int32),
            jax.ShapeDtypeStruct((B * T, D), jnp.float32),
        ),
        scratch_types=[
            pltpu.VMEM((T,), jnp.int32),
            pltpu.VMEM((T,), jnp.int32),
            pltpu.VMEM(((B * T) // 32,), jnp.int32),
            pltpu.VMEM((_GCH, D), jnp.float32),
            pltpu.VMEM((_GCH, D), jnp.float32),
            pltpu.SemaphoreType.DMA,
            pltpu.SemaphoreType.DMA,
            pltpu.SemaphoreType.DMA,
            pltpu.SemaphoreType.DMA,
        ],
        compiler_params=pltpu.CompilerParams(needs_layout_passes=False),
    )(_sc_colgather_body)
    return fn(inp_flat, ctx2d)



_ZR = 16


def _sc_attn_body(idx_hbm, zeros_hbm, mix_hbm, attn_hbm, zb0, zb1, idx_v,
                  sem0, sem1):
    del mix_hbm
    cid = lax.axis_index("c")
    sid = lax.axis_index("s")
    wid = sid * 2 + cid
    rows_per_w = (B * T) // 32
    row0 = wid * rows_per_w

    pltpu.sync_copy(zeros_hbm, zb0)
    pltpu.sync_copy(zeros_hbm, zb1)
    pltpu.sync_copy(idx_hbm.at[pl.ds(row0, rows_per_w)], idx_v)

    bufs = (zb0, zb1)
    sems = (sem0, sem1)
    cps = [None, None]
    prev_col = [None, None]
    riota = lax.iota(jnp.int32, _L)
    ones = jnp.full((_L,), 1.0, jnp.float32)
    zeros = jnp.zeros((_L,), jnp.float32)
    nv = _ZR // _L
    for c in range(rows_per_w // _ZR):
        bf = c % 2
        if cps[bf] is not None:
            cps[bf].wait()
            for v in range(nv):
                plsc.store_scatter(bufs[bf], [v * _L + riota, prev_col[bf][v]],
                                   zeros)
        cols = []
        for v in range(nv):
            flat = idx_v[pl.ds(c * _ZR + v * _L, _L)]
            r = riota + (row0 + c * _ZR + v * _L)
            col = flat - lax.shift_right_logical(r, 11) * S
            plsc.store_scatter(bufs[bf], [v * _L + riota, col], ones)
            cols.append(col)
        cps[bf] = pltpu.async_copy(
            bufs[bf], attn_hbm.at[pl.ds(row0 + c * _ZR, _ZR)], sems[bf])
        prev_col[bf] = cols
    cps[0].wait()
    cps[1].wait()


def _sc_attn(idx_flat, zeros_hbm, mix):
    mesh = plsc.VectorSubcoreMesh(core_axis_name="c", subcore_axis_name="s")
    fn = functools.partial(
        pl.kernel,
        mesh=mesh,
        out_type=jax.ShapeDtypeStruct((B * T, S), jnp.float32),
        scratch_types=[
            pltpu.VMEM((_ZR, S), jnp.float32),
            pltpu.VMEM((_ZR, S), jnp.float32),
            pltpu.VMEM(((B * T) // 32,), jnp.int32),
            pltpu.SemaphoreType.DMA,
            pltpu.SemaphoreType.DMA,
        ],
        compiler_params=pltpu.CompilerParams(needs_layout_passes=False),
    )(_sc_attn_body)
    return fn(idx_flat, zeros_hbm, mix)



_BR = 1024


def _out_body(mix_ref, y_ref, w_ref, b_ref, o_ref):
    w1 = w_ref[:, :D]
    w2 = w_ref[:, D:]
    acc = lax.dot_general(
        mix_ref[...].astype(jnp.bfloat16), w1, (((1,), (1,)), ((), ())),
        preferred_element_type=jnp.float32,
    )
    acc = acc + lax.dot_general(
        y_ref[...].astype(jnp.bfloat16), w2, (((1,), (1,)), ((), ())),
        preferred_element_type=jnp.float32,
    )
    o_ref[...] = jnp.tanh(acc + b_ref[...])


def _tc_out(mix, y2d, W, b2d):
    return pl.pallas_call(
        _out_body,
        grid=((B * T) // _BR,),
        in_specs=[
            pl.BlockSpec((_BR, D), lambda r: (r, 0)),
            pl.BlockSpec((_BR, D), lambda r: (r, 0)),
            pl.BlockSpec((D, 2 * D), lambda r: (0, 0)),
            pl.BlockSpec((1, D), lambda r: (0, 0)),
        ],
        out_specs=pl.BlockSpec((_BR, D), lambda r: (r, 0)),
        out_shape=jax.ShapeDtypeStruct((B * T, D), jnp.float32),
    )(mix, y2d, W, b2d)


def kernel(input_var, output, context, di, W, b):
    del di
    inp_flat = input_var.reshape(B * T)
    idx_flat, mix = _sc_colgather(inp_flat, context.reshape(B * S, D))
    zeros_src = jnp.zeros((_ZR, S), jnp.float32)
    attn = _sc_attn(idx_flat, zeros_src, mix)
    out = _tc_out(mix, output.reshape(B * T, D), W, b.reshape(1, D))
    return out.reshape(B, T, D), attn.reshape(B, T, S)

# --- scband reference (transcript-rebuilt; emitter-appended) ---
"""Pipeline reference for scband-hard-attention-69638599737601 (READ-ONLY COPY).

The authoritative reference and input builder live on the scoring server;
editing this copy changes nothing except your own understanding.
"""

import jax, jax.numpy as jnp
import numpy as np

DIM = 1024
INSERT_TOK = (0, 1, 2)


def setup_inputs(seed: int = 0) -> dict:
    key = jax.random.key(seed)
    k1, k2, k3, k4, k5 = jax.random.split(key, 5)
    B, T, S, d = 4, 2048, 2048, DIM
    input_var = jax.random.randint(k1, (B, T), 0, 32000, dtype=jnp.int32)
    output = jax.random.normal(k2, (B, T, d), dtype=jnp.float32)
    context = jax.random.normal(k3, (B, S, d), dtype=jnp.float32)
    W = jax.random.normal(k4, (d, 2 * d), dtype=jnp.float32) * (1.0 / np.sqrt(2 * d))
    b = (jax.random.uniform(k5, (d,), dtype=jnp.float32) - 0.5) * (2.0 / np.sqrt(2 * d))
    return {"input_var": input_var, "output": output, "context": context, "di": 0, "W": W, "b": b}


def _build_attn(input_var, B, T, S):
    # Faithful re-implementation of the per-batch python loop:
    # inserted[b] starts at 0 (init_inserted); at step i>=1 the bounds check uses the
    # OLD inserted, the increment happens if the token is an insert token, and the
    # attn column uses the NEW inserted: col = i - inserted_new - 1 (negative wraps).
    insert_arr = jnp.asarray(INSERT_TOK, dtype=input_var.dtype)
    is_tok = (input_var[:, :, None] == insert_arr[None, None, :]).any(axis=-1)  # [B, T] bool

    def scan_batch(toks):
        def step(inserted, xi):
            i, tok = xi
            cond = S >= (i - inserted)
            inc = jnp.where(jnp.logical_and(cond, tok), 1, 0).astype(jnp.int32)
            new_ins = inserted + inc
            col = i - new_ins - 1
            col = jnp.where(col < 0, col + S, col)  # python negative-index wrap
            col = jnp.where(cond, col, S + 7)  # out-of-bounds sentinel -> dropped
            return new_ins, col
        idxs = jnp.arange(1, T, dtype=jnp.int32)
        _, cols = jax.lax.scan(step, jnp.int32(0), (idxs, toks[1:]))
        return cols  # [T-1]

    cols = jax.vmap(scan_batch)(is_tok)  # [B, T-1]
    attn = jnp.zeros((B, T, S), dtype=jnp.float32)
    attn = attn.at[:, 0, 0].set(1.0)
    b_idx = jnp.arange(B)[:, None]
    i_idx = jnp.arange(1, T, dtype=jnp.int32)[None, :]
    attn = attn.at[b_idx, i_idx, cols].set(1.0, mode='drop')
    return attn


def reference(input_var, output, context, di, W, b):
    B, T, d = output.shape
    S = context.shape[1]
    # torch computes bmm(output, context^T) then zeroes it in-place; the resulting
    # attn values are exactly the hard 0/1 pattern built below (T != 1 branch).
    attn = _build_attn(input_var, B, T, S)
    mix = jnp.matmul(attn, context)  # [B, T, d]
    combined = jnp.concatenate((mix, output), axis=2)  # [B, T, 2d]
    out = jnp.tanh(combined.reshape(-1, 2 * d) @ W.T + b).reshape(B, -1, d)
    return (out, attn)

if __name__ == "__main__":
    import jax
    _d = setup_inputs()
    print(jax.jit(kernel)(*tuple(_d.values())))

</pallas_src>

<mosaic_0001>
#map = affine_map<(d0, d1) -> (0)>
#map1 = affine_map<(d0, d1) -> (0, 0)>
module attributes {stable_mosaic.version = 14 : i64} {
  func.func @_sc_attn_body(%arg0: i32, %arg1: i32, %arg2: memref<8192xi32, #tpu.memory_space<hbm>>, %arg3: memref<16x2048xf32, #tpu.memory_space<hbm>>, %arg4: memref<8192x1024xf32, #tpu.memory_space<hbm>>, %arg5: memref<8192x2048xf32, #tpu.memory_space<hbm>>, %arg6: memref<16x2048xf32, #tpu.memory_space<vmem>>, %arg7: memref<16x2048xf32, #tpu.memory_space<vmem>>, %arg8: memref<256xi32, #tpu.memory_space<vmem>>, %arg9: memref<!tpu.dma_semaphore, #tpu.memory_space<semaphore_mem>>, %arg10: memref<!tpu.dma_semaphore, #tpu.memory_space<semaphore_mem>>) attributes {dimension_semantics = [#tpu.dimension_semantics<core_parallel>, #tpu.dimension_semantics<subcore_parallel>], iteration_bounds = array<i64: 2, 16>, scalar_prefetch = 0 : i64, scratch_operands = 5 : i64, tpu.core_type = #tpu.core_type<sc_vector_subcore>, window_params = [{transform_indices = #map}, {transform_indices = #map1}, {transform_indices = #map1}, {transform_indices = #map1}]} {
    %mul3A = arith.constant 2 : i32
    %mul3A_0 = arith.muli %arg1, %mul3A : i32
    %add3A = arith.addi %mul3A_0, %arg0 : i32
    %mul3A_1 = arith.constant 256 : i32
    %mul3A_2 = arith.muli %add3A, %mul3A_1 : i32
    "tpu.region"() ({
      %run_scoped3A = tpu.sem_alloc : memref<!tpu.dma_semaphore, #tpu.memory_space<semaphore_mem>>
      tpu.enqueue_dma source(%arg3 : memref<16x2048xf32, #tpu.memory_space<hbm>>) target(%arg6 : memref<16x2048xf32, #tpu.memory_space<vmem>>) target_semaphore(%run_scoped3A : memref<!tpu.dma_semaphore, #tpu.memory_space<semaphore_mem>>)
      tpu.wait_dma2 semaphore(%run_scoped3A : memref<!tpu.dma_semaphore, #tpu.memory_space<semaphore_mem>>) src(%arg3 : memref<16x2048xf32, #tpu.memory_space<hbm>>) dst(%arg6 : memref<16x2048xf32, #tpu.memory_space<vmem>>)
      tpu.yield
    }) : () -> ()
    "tpu.region"() ({
      %run_scoped3A = tpu.sem_alloc : memref<!tpu.dma_semaphore, #tpu.memory_space<semaphore_mem>>
      tpu.enqueue_dma source(%arg3 : memref<16x2048xf32, #tpu.memory_space<hbm>>) target(%arg7 : memref<16x2048xf32, #tpu.memory_space<vmem>>) target_semaphore(%run_scoped3A : memref<!tpu.dma_semaphore, #tpu.memory_space<semaphore_mem>>)
      tpu.wait_dma2 semaphore(%run_scoped3A : memref<!tpu.dma_semaphore, #tpu.memory_space<semaphore_mem>>) src(%arg3 : memref<16x2048xf32, #tpu.memory_space<hbm>>) dst(%arg7 : memref<16x2048xf32, #tpu.memory_space<vmem>>)
      tpu.yield
    }) : () -> ()
    "tpu.region"() ({
      %run_scoped3A = tpu.sem_alloc : memref<!tpu.dma_semaphore, #tpu.memory_space<semaphore_mem>>
      %dma_start3A_491 = tpu.memref_slice %arg2[%mul3A_2] : memref<8192xi32, #tpu.memory_space<hbm>> -> memref<256xi32, #tpu.memory_space<hbm>>
      %dma_start3A_492 = tpu.memref_slice %arg2[%mul3A_2] : memref<8192xi32, #tpu.memory_space<hbm>> -> memref<256xi32, #tpu.memory_space<hbm>>
      tpu.enqueue_dma source(%dma_start3A_492 : memref<256xi32, #tpu.memory_space<hbm>>) target(%arg8 : memref<256xi32, #tpu.memory_space<vmem>>) target_semaphore(%run_scoped3A : memref<!tpu.dma_semaphore, #tpu.memory_space<semaphore_mem>>)
      %dma_wait3A_493 = tpu.memref_slice %arg2[%mul3A_2] : memref<8192xi32, #tpu.memory_space<hbm>> -> memref<256xi32, #tpu.memory_space<hbm>>
      %dma_wait3A_494 = tpu.memref_slice %arg2[%mul3A_2] : memref<8192xi32, #tpu.memory_space<hbm>> -> memref<256xi32, #tpu.memory_space<hbm>>
      tpu.wait_dma2 semaphore(%run_scoped3A : memref<!tpu.dma_semaphore, #tpu.memory_space<semaphore_mem>>) src(%dma_wait3A_494 : memref<256xi32, #tpu.memory_space<hbm>>) dst(%arg8 : memref<256xi32, #tpu.memory_space<vmem>>)
      tpu.yield
    }) : () -> ()
    %iota3A = tpu.iota {dimensions = array<i32: 0>} : vector<16xi32>
    %broadcast_in_dim3A = arith.constant 1.000000e+00 : f32
    %broadcast_in_dim3A_3 = vector.broadcast %broadcast_in_dim3A : f32 to vector<16xf32>
    %broadcast_in_dim3A_4 = arith.constant 0.000000e+00 : f32
    %broadcast_in_dim3A_5 = vector.broadcast %broadcast_in_dim3A_4 : f32 to vector<16xf32>
    %get3A = arith.constant 0 : index
    %get3A_6 = tpu.vector_load %arg8[%get3A] {strides = array<i32>} : memref<256xi32, #tpu.memory_space<vmem>>, vector<16xi32>,
    %add3A_7 = arith.constant 0 : i32
    %add3A_8 = arith.addi %mul3A_2, %add3A_7 : i32
    %add3A_9 = arith.constant 0 : i32
    %add3A_10 = arith.addi %add3A_8, %add3A_9 : i32
    %add3A_11 = vector.broadcast %add3A_10 : i32 to vector<16xi32>
    %add3A_12 = arith.addi %iota3A, %add3A_11 : vector<16xi32>
    %shift_right_logical3A = arith.constant 11 : i32
    %shift_right_logical3A_13 = vector.broadcast %shift_right_logical3A : i32 to vector<16xi32>
    %shift_right_logical3A_14 = arith.shrui %add3A_12, %shift_right_logical3A_13 : vector<16xi32>
    %mul3A_15 = arith.constant 2048 : i32
    %mul3A_16 = vector.broadcast %mul3A_15 : i32 to vector<16xi32>
    %mul3A_17 = arith.muli %shift_right_logical3A_14, %mul3A_16 : vector<16xi32>
    %sub3A = arith.subi %get3A_6, %mul3A_17 : vector<16xi32>
    %add3A_18 = arith.constant 0 : i32
    %add3A_19 = vector.broadcast %add3A_18 : i32 to vector<16xi32>
    %add3A_20 = arith.addi %add3A_19, %iota3A : vector<16xi32>
    tpu.vector_store_idx %arg6[%add3A_20, %sub3A], %broadcast_in_dim3A_3 : memref<16x2048xf32, #tpu.memory_space<vmem>>[vector<16xi32>, vector<16xi32>], vector<16xf32>,
    %add3A_21 = arith.constant 0 : i32
    %add3A_22 = arith.addi %mul3A_2, %add3A_21 : i32
    %dma_start3A = arith.constant 0 : i32
    %dma_start3A_23 = tpu.memref_slice %arg5[%add3A_22, %dma_start3A] : memref<8192x2048xf32, #tpu.memory_space<hbm>> -> memref<16x2048xf32, #tpu.memory_space<hbm>>
    %dma_start3A_24 = arith.constant 0 : i32
    %dma_start3A_25 = tpu.memref_slice %arg5[%add3A_22, %dma_start3A_24] : memref<8192x2048xf32, #tpu.memory_space<hbm>> -> memref<16x2048xf32, #tpu.memory_space<hbm>>
    tpu.enqueue_dma source(%arg6 : memref<16x2048xf32, #tpu.memory_space<vmem>>) target(%dma_start3A_25 : memref<16x2048xf32, #tpu.memory_space<hbm>>) target_semaphore(%arg9 : memref<!tpu.dma_semaphore, #tpu.memory_space<semaphore_mem>>)
    %get3A_26 = arith.constant 16 : index
    %get3A_27 = tpu.vector_load %arg8[%get3A_26] {strides = array<i32>} : memref<256xi32, #tpu.memory_space<vmem>>, vector<16xi32>,
    %add3A_28 = arith.constant 16 : i32
    %add3A_29 = arith.addi %mul3A_2, %add3A_28 : i32
    %add3A_30 = arith.constant 0 : i32
    %add3A_31 = arith.addi %add3A_29, %add3A_30 : i32
    %add3A_32 = vector.broadcast %add3A_31 : i32 to vector<16xi32>
    %add3A_33 = arith.addi %iota3A, %add3A_32 : vector<16xi32>
    %shift_right_logical3A_34 = arith.constant 11 : i32
    %shift_right_logical3A_35 = vector.broadcast %shift_right_logical3A_34 : i32 to vector<16xi32>
    %shift_right_logical3A_36 = arith.shrui %add3A_33, %shift_right_logical3A_35 : vector<16xi32>
    %mul3A_37 = arith.constant 2048 : i32
    %mul3A_38 = vector.broadcast %mul3A_37 : i32 to vector<16xi32>
    %mul3A_39 = arith.muli %shift_right_logical3A_36, %mul3A_38 : vector<16xi32>
    %sub3A_40 = arith.subi %get3A_27, %mul3A_39 : vector<16xi32>
    %add3A_41 = arith.constant 0 : i32
    %add3A_42 = vector.broadcast %add3A_41 : i32 to vector<16xi32>
    %add3A_43 = arith.addi %add3A_42, %iota3A : vector<16xi32>
    tpu.vector_store_idx %arg7[%add3A_43, %sub3A_40], %broadcast_in_dim3A_3 : memref<16x2048xf32, #tpu.memory_space<vmem>>[vector<16xi32>, vector<16xi32>], vector<16xf32>,
    %add3A_44 = arith.constant 16 : i32
    %add3A_45 = arith.addi %mul3A_2, %add3A_44 : i32
    %dma_start3A_46 = arith.constant 0 : i32
    %dma_start3A_47 = tpu.memref_slice %arg5[%add3A_45, %dma_start3A_46] : memref<8192x2048xf32, #tpu.memory_space<hbm>> -> memref<16x2048xf32, #tpu.memory_space<hbm>>
    %dma_start3A_48 = arith.constant 0 : i32
    %dma_start3A_49 = tpu.memref_slice %arg5[%add3A_45, %dma_start3A_48] : memref<8192x2048xf32, #tpu.memory_space<hbm>> -> memref<16x2048xf32, #tpu.memory_space<hbm>>
    tpu.enqueue_dma source(%arg7 : memref<16x2048xf32, #tpu.memory_space<vmem>>) target(%dma_start3A_49 : memref<16x2048xf32, #tpu.memory_space<hbm>>) target_semaphore(%arg10 : memref<!tpu.dma_semaphore, #tpu.memory_space<semaphore_mem>>)
    %dma_wait3A = arith.constant 0 : i32
    %dma_wait3A_50 = tpu.memref_slice %arg5[%add3A_22, %dma_wait3A] : memref<8192x2048xf32, #tpu.memory_space<hbm>> -> memref<16x2048xf32, #tpu.memory_space<hbm>>
    %dma_wait3A_51 = arith.constant 0 : i32
    %dma_wait3A_52 = tpu.memref_slice %arg5[%add3A_22, %dma_wait3A_51] : memref<8192x2048xf32, #tpu.memory_space<hbm>> -> memref<16x2048xf32, #tpu.memory_space<hbm>>
    tpu.wait_dma2 semaphore(%arg9 : memref<!tpu.dma_semaphore, #tpu.memory_space<semaphore_mem>>) src(%arg6 : memref<16x2048xf32, #tpu.memory_space<vmem>>) dst(%dma_wait3A_52 : memref<16x2048xf32, #tpu.memory_space<hbm>>)
    %add3A_53 = arith.constant 0 : i32
    %add3A_54 = vector.broadcast %add3A_53 : i32 to vector<16xi32>
    %add3A_55 = arith.addi %add3A_54, %iota3A : vector<16xi32>
    tpu.vector_store_idx %arg6[%add3A_55, %sub3A], %broadcast_in_dim3A_5 : memref<16x2048xf32, #tpu.memory_space<vmem>>[vector<16xi32>, vector<16xi32>], vector<16xf32>,
    %get3A_56 = arith.constant 32 : index
    %get3A_57 = tpu.vector_load %arg8[%get3A_56] {strides = array<i32>} : memref<256xi32, #tpu.memory_space<vmem>>, vector<16xi32>,
    %add3A_58 = arith.constant 32 : i32
    %add3A_59 = arith.addi %mul3A_2, %add3A_58 : i32
    %add3A_60 = arith.constant 0 : i32
    %add3A_61 = arith.addi %add3A_59, %add3A_60 : i32
    %add3A_62 = vector.broadcast %add3A_61 : i32 to vector<16xi32>
    %add3A_63 = arith.addi %iota3A, %add3A_62 : vector<16xi32>
    %shift_right_logical3A_64 = arith.constant 11 : i32
    %shift_right_logical3A_65 = vector.broadcast %shift_right_logical3A_64 : i32 to vector<16xi32>
    %shift_right_logical3A_66 = arith.shrui %add3A_63, %shift_right_logical3A_65 : vector<16xi32>
    %mul3A_67 = arith.constant 2048 : i32
    %mul3A_68 = vector.broadcast %mul3A_67 : i32 to vector<16xi32>
    %mul3A_69 = arith.muli %shift_right_logical3A_66, %mul3A_68 : vector<16xi32>
    %sub3A_70 = arith.subi %get3A_57, %mul3A_69 : vector<16xi32>
    %add3A_71 = arith.constant 0 : i32
    %add3A_72 = vector.broadcast %add3A_71 : i32 to vector<16xi32>
    %add3A_73 = arith.addi %add3A_72, %iota3A : vector<16xi32>
    tpu.vector_store_idx %arg6[%add3A_73, %sub3A_70], %broadcast_in_dim3A_3 : memref<16x2048xf32, #tpu.memory_space<vmem>>[vector<16xi32>, vector<16xi32>], vector<16xf32>,
    %add3A_74 = arith.constant 32 : i32
    %add3A_75 = arith.addi %mul3A_2, %add3A_74 : i32
    %dma_start3A_76 = arith.constant 0 : i32
    %dma_start3A_77 = tpu.memref_slice %arg5[%add3A_75, %dma_start3A_76] : memref<8192x2048xf32, #tpu.memory_space<hbm>> -> memref<16x2048xf32, #tpu.memory_space<hbm>>
    %dma_start3A_78 = arith.constant 0 : i32
    %dma_start3A_79 = tpu.memref_slice %arg5[%add3A_75, %dma_start3A_78] : memref<8192x2048xf32, #tpu.memory_space<hbm>> -> memref<16x2048xf32, #tpu.memory_space<hbm>>
    tpu.enqueue_dma source(%arg6 : memref<16x2048xf32, #tpu.memory_space<vmem>>) target(%dma_start3A_79 : memref<16x2048xf32, #tpu.memory_space<hbm>>) target_semaphore(%arg9 : memref<!tpu.dma_semaphore, #tpu.memory_space<semaphore_mem>>)
    %dma_wait3A_80 = arith.constant 0 : i32
    %dma_wait3A_81 = tpu.memref_slice %arg5[%add3A_45, %dma_wait3A_80] : memref<8192x2048xf32, #tpu.memory_space<hbm>> -> memref<16x2048xf32, #tpu.memory_space<hbm>>
    %dma_wait3A_82 = arith.constant 0 : i32
    %dma_wait3A_83 = tpu.memref_slice %arg5[%add3A_45, %dma_wait3A_82] : memref<8192x2048xf32, #tpu.memory_space<hbm>> -> memref<16x2048xf32, #tpu.memory_space<hbm>>
    tpu.wait_dma2 semaphore(%arg10 : memref<!tpu.dma_semaphore, #tpu.memory_space<semaphore_mem>>) src(%arg7 : memref<16x2048xf32, #tpu.memory_space<vmem>>) dst(%dma_wait3A_83 : memref<16x2048xf32, #tpu.memory_space<hbm>>)
    %add3A_84 = arith.constant 0 : i32
    %add3A_85 = vector.broadcast %add3A_84 : i32 to vector<16xi32>
    %add3A_86 = arith.addi %add3A_85, %iota3A : vector<16xi32>
    tpu.vector_store_idx %arg7[%add3A_86, %sub3A_40], %broadcast_in_dim3A_5 : memref<16x2048xf32, #tpu.memory_space<vmem>>[vector<16xi32>, vector<16xi32>], vector<16xf32>,
    %get3A_87 = arith.constant 48 : index
    %get3A_88 = tpu.vector_load %arg8[%get3A_87] {strides = array<i32>} : memref<256xi32, #tpu.memory_space<vmem>>, vector<16xi32>,
    %add3A_89 = arith.constant 48 : i32
    %add3A_90 = arith.addi %mul3A_2, %add3A_89 : i32
    %add3A_91 = arith.constant 0 : i32
    %add3A_92 = arith.addi %add3A_90, %add3A_91 : i32
    %add3A_93 = vector.broadcast %add3A_92 : i32 to vector<16xi32>
    %add3A_94 = arith.addi %iota3A, %add3A_93 : vector<16xi32>
    %shift_right_logical3A_95 = arith.constant 11 : i32
    %shift_right_logical3A_96 = vector.broadcast %shift_right_logical3A_95 : i32 to vector<16xi32>
    %shift_right_logical3A_97 = arith.shrui %add3A_94, %shift_right_logical3A_96 : vector<16xi32>
    %mul3A_98 = arith.constant 2048 : i32
    %mul3A_99 = vector.broadcast %mul3A_98 : i32 to vector<16xi32>
    %mul3A_100 = arith.muli %shift_right_logical3A_97, %mul3A_99 : vector<16xi32>
    %sub3A_101 = arith.subi %get3A_88, %mul3A_100 : vector<16xi32>
    %add3A_102 = arith.constant 0 : i32
    %add3A_103 = vector.broadcast %add3A_102 : i32 to vector<16xi32>
    %add3A_104 = arith.addi %add3A_103, %iota3A : vector<16xi32>
    tpu.vector_store_idx %arg7[%add3A_104, %sub3A_101], %broadcast_in_dim3A_3 : memref<16x2048xf32, #tpu.memory_space<vmem>>[vector<16xi32>, vector<16xi32>], vector<16xf32>,
    %add3A_105 = arith.constant 48 : i32
    %add3A_106 = arith.addi %mul3A_2, %add3A_105 : i32
    %dma_start3A_107 = arith.constant 0 : i32
    %dma_start3A_108 = tpu.memref_slice %arg5[%add3A_106, %dma_start3A_107] : memref<8192x2048xf32, #tpu.memory_space<hbm>> -> memref<16x2048xf32, #tpu.memory_space<hbm>>
    %dma_start3A_109 = arith.constant 0 : i32
    %dma_start3A_110 = tpu.memref_slice %arg5[%add3A_106, %dma_start3A_109] : memref<8192x2048xf32, #tpu.memory_space<hbm>> -> memref<16x2048xf32, #tpu.memory_space<hbm>>
    tpu.enqueue_dma source(%arg7 : memref<16x2048xf32, #tpu.memory_space<vmem>>) target(%dma_start3A_110 : memref<16x2048xf32, #tpu.memory_space<hbm>>) target_semaphore(%arg10 : memref<!tpu.dma_semaphore, #tpu.memory_space<semaphore_mem>>)
    %dma_wait3A_111 = arith.constant 0 : i32
    %dma_wait3A_112 = tpu.memref_slice %arg5[%add3A_75, %dma_wait3A_111] : memref<8192x2048xf32, #tpu.memory_space<hbm>> -> memref<16x2048xf32, #tpu.memory_space<hbm>>
    %dma_wait3A_113 = arith.constant 0 : i32
    %dma_wait3A_114 = tpu.memref_slice %arg5[%add3A_75, %dma_wait3A_113] : memref<8192x2048xf32, #tpu.memory_space<hbm>> -> memref<16x2048xf32, #tpu.memory_space<hbm>>
    tpu.wait_dma2 semaphore(%arg9 : memref<!tpu.dma_semaphore, #tpu.memory_space<semaphore_mem>>) src(%arg6 : memref<16x2048xf32, #tpu.memory_space<vmem>>) dst(%dma_wait3A_114 : memref<16x2048xf32, #tpu.memory_space<hbm>>)
    %add3A_115 = arith.constant 0 : i32
    %add3A_116 = vector.broadcast %add3A_115 : i32 to vector<16xi32>
    %add3A_117 = arith.addi %add3A_116, %iota3A : vector<16xi32>
    tpu.vector_store_idx %arg6[%add3A_117, %sub3A_70], %broadcast_in_dim3A_5 : memref<16x2048xf32, #tpu.memory_space<vmem>>[vector<16xi32>, vector<16xi32>], vector<16xf32>,
    %get3A_118 = arith.constant 64 : index
    %get3A_119 = tpu.vector_load %arg8[%get3A_118] {strides = array<i32>} : memref<256xi32, #tpu.memory_space<vmem>>, vector<16xi32>,
    %add3A_120 = arith.constant 64 : i32
    %add3A_121 = arith.addi %mul3A_2, %add3A_120 : i32
    %add3A_122 = arith.constant 0 : i32
    %add3A_123 = arith.addi %add3A_121, %add3A_122 : i32
    %add3A_124 = vector.broadcast %add3A_123 : i32 to vector<16xi32>
    %add3A_125 = arith.addi %iota3A, %add3A_124 : vector<16xi32>
    %shift_right_logical3A_126 = arith.constant 11 : i32
    %shift_right_logical3A_127 = vector.broadcast %shift_right_logical3A_126 : i32 to vector<16xi32>
    %shift_right_logical3A_128 = arith.shrui %add3A_125, %shift_right_logical3A_127 : vector<16xi32>
    %mul3A_129 = arith.constant 2048 : i32
    %mul3A_130 = vector.broadcast %mul3A_129 : i32 to vector<16xi32>
    %mul3A_131 = arith.muli %shift_right_logical3A_128, %mul3A_130 : vector<16xi32>
    %sub3A_132 = arith.subi %get3A_119, %mul3A_131 : vector<16xi32>
    %add3A_133 = arith.constant 0 : i32
    %add3A_134 = vector.broadcast %add3A_133 : i32 to vector<16xi32>
    %add3A_135 = arith.addi %add3A_134, %iota3A : vector<16xi32>
    tpu.vector_store_idx %arg6[%add3A_135, %sub3A_132], %broadcast_in_dim3A_3 : memref<16x2048xf32, #tpu.memory_space<vmem>>[vector<16xi32>, vector<16xi32>], vector<16xf32>,
    %add3A_136 = arith.constant 64 : i32
    %add3A_137 = arith.addi %mul3A_2, %add3A_136 : i32
    %dma_start3A_138 = arith.constant 0 : i32
    %dma_start3A_139 = tpu.memref_slice %arg5[%add3A_137, %dma_start3A_138] : memref<8192x2048xf32, #tpu.memory_space<hbm>> -> memref<16x2048xf32, #tpu.memory_space<hbm>>
    %dma_start3A_140 = arith.constant 0 : i32
    %dma_start3A_141 = tpu.memref_slice %arg5[%add3A_137, %dma_start3A_140] : memref<8192x2048xf32, #tpu.memory_space<hbm>> -> memref<16x2048xf32, #tpu.memory_space<hbm>>
    tpu.enqueue_dma source(%arg6 : memref<16x2048xf32, #tpu.memory_space<vmem>>) target(%dma_start3A_141 : memref<16x2048xf32, #tpu.memory_space<hbm>>) target_semaphore(%arg9 : memref<!tpu.dma_semaphore, #tpu.memory_space<semaphore_mem>>)
    %dma_wait3A_142 = arith.constant 0 : i32
    %dma_wait3A_143 = tpu.memref_slice %arg5[%add3A_106, %dma_wait3A_142] : memref<8192x2048xf32, #tpu.memory_space<hbm>> -> memref<16x2048xf32, #tpu.memory_space<hbm>>
    %dma_wait3A_144 = arith.constant 0 : i32
    %dma_wait3A_145 = tpu.memref_slice %arg5[%add3A_106, %dma_wait3A_144] : memref<8192x2048xf32, #tpu.memory_space<hbm>> -> memref<16x2048xf32, #tpu.memory_space<hbm>>
    tpu.wait_dma2 semaphore(%arg10 : memref<!tpu.dma_semaphore, #tpu.memory_space<semaphore_mem>>) src(%arg7 : memref<16x2048xf32, #tpu.memory_space<vmem>>) dst(%dma_wait3A_145 : memref<16x2048xf32, #tpu.memory_space<hbm>>)
    %add3A_146 = arith.constant 0 : i32
    %add3A_147 = vector.broadcast %add3A_146 : i32 to vector<16xi32>
    %add3A_148 = arith.addi %add3A_147, %iota3A : vector<16xi32>
    tpu.vector_store_idx %arg7[%add3A_148, %sub3A_101], %broadcast_in_dim3A_5 : memref<16x2048xf32, #tpu.memory_space<vmem>>[vector<16xi32>, vector<16xi32>], vector<16xf32>,
    %get3A_149 = arith.constant 80 : index
    %get3A_150 = tpu.vector_load %arg8[%get3A_149] {strides = array<i32>} : memref<256xi32, #tpu.memory_space<vmem>>, vector<16xi32>,
    %add3A_151 = arith.constant 80 : i32
    %add3A_152 = arith.addi %mul3A_2, %add3A_151 : i32
    %add3A_153 = arith.constant 0 : i32
    %add3A_154 = arith.addi %add3A_152, %add3A_153 : i32
    %add3A_155 = vector.broadcast %add3A_154 : i32 to vector<16xi32>
    %add3A_156 = arith.addi %iota3A, %add3A_155 : vector<16xi32>
    %shift_right_logical3A_157 = arith.constant 11 : i32
    %shift_right_logical3A_158 = vector.broadcast %shift_right_logical3A_157 : i32 to vector<16xi32>
    %shift_right_logical3A_159 = arith.shrui %add3A_156, %shift_right_logical3A_158 : vector<16xi32>
    %mul3A_160 = arith.constant 2048 : i32
    %mul3A_161 = vector.broadcast %mul3A_160 : i32 to vector<16xi32>
    %mul3A_162 = arith.muli %shift_right_logical3A_159, %mul3A_161 : vector<16xi32>
    %sub3A_163 = arith.subi %get3A_150, %mul3A_162 : vector<16xi32>
    %add3A_164 = arith.constant 0 : i32
    %add3A_165 = vector.broadcast %add3A_164 : i32 to vector<16xi32>
    %add3A_166 = arith.addi %add3A_165, %iota3A : vector<16xi32>
    tpu.vector_store_idx %arg7[%add3A_166, %sub3A_163], %broadcast_in_dim3A_3 : memref<16x2048xf32, #tpu.memory_space<vmem>>[vector<16xi32>, vector<16xi32>], vector<16xf32>,
    %add3A_167 = arith.constant 80 : i32
    %add3A_168 = arith.addi %mul3A_2, %add3A_167 : i32
    %dma_start3A_169 = arith.constant 0 : i32
    %dma_start3A_170 = tpu.memref_slice %arg5[%add3A_168, %dma_start3A_169] : memref<8192x2048xf32, #tpu.memory_space<hbm>> -> memref<16x2048xf32, #tpu.memory_space<hbm>>
    %dma_start3A_171 = arith.constant 0 : i32
    %dma_start3A_172 = tpu.memref_slice %arg5[%add3A_168, %dma_start3A_171] : memref<8192x2048xf32, #tpu.memory_space<hbm>> -> memref<16x2048xf32, #tpu.memory_space<hbm>>
    tpu.enqueue_dma source(%arg7 : memref<16x2048xf32, #tpu.memory_space<vmem>>) target(%dma_start3A_172 : memref<16x2048xf32, #tpu.memory_space<hbm>>) target_semaphore(%arg10 : memref<!tpu.dma_semaphore, #tpu.memory_space<semaphore_mem>>)
    %dma_wait3A_173 = arith.constant 0 : i32
    %dma_wait3A_174 = tpu.memref_slice %arg5[%add3A_137, %dma_wait3A_173] : memref<8192x2048xf32, #tpu.memory_space<hbm>> -> memref<16x2048xf32, #tpu.memory_space<hbm>>
    %dma_wait3A_175 = arith.constant 0 : i32
    %dma_wait3A_176 = tpu.memref_slice %arg5[%add3A_137, %dma_wait3A_175] : memref<8192x2048xf32, #tpu.memory_space<hbm>> -> memref<16x2048xf32, #tpu.memory_space<hbm>>
    tpu.wait_dma2 semaphore(%arg9 : memref<!tpu.dma_semaphore, #tpu.memory_space<semaphore_mem>>) src(%arg6 : memref<16x2048xf32, #tpu.memory_space<vmem>>) dst(%dma_wait3A_176 : memref<16x2048xf32, #tpu.memory_space<hbm>>)
    %add3A_177 = arith.constant 0 : i32
    %add3A_178 = vector.broadcast %add3A_177 : i32 to vector<16xi32>
    %add3A_179 = arith.addi %add3A_178, %iota3A : vector<16xi32>
    tpu.vector_store_idx %arg6[%add3A_179, %sub3A_132], %broadcast_in_dim3A_5 : memref<16x2048xf32, #tpu.memory_space<vmem>>[vector<16xi32>, vector<16xi32>], vector<16xf32>,
    %get3A_180 = arith.constant 96 : index
    %get3A_181 = tpu.vector_load %arg8[%get3A_180] {strides = array<i32>} : memref<256xi32, #tpu.memory_space<vmem>>, vector<16xi32>,
    %add3A_182 = arith.constant 96 : i32
    %add3A_183 = arith.addi %mul3A_2, %add3A_182 : i32
    %add3A_184 = arith.constant 0 : i32
    %add3A_185 = arith.addi %add3A_183, %add3A_184 : i32
    %add3A_186 = vector.broadcast %add3A_185 : i32 to vector<16xi32>
    %add3A_187 = arith.addi %iota3A, %add3A_186 : vector<16xi32>
    %shift_right_logical3A_188 = arith.constant 11 : i32
    %shift_right_logical3A_189 = vector.broadcast %shift_right_logical3A_188 : i32 to vector<16xi32>
    %shift_right_logical3A_190 = arith.shrui %add3A_187, %shift_right_logical3A_189 : vector<16xi32>
    %mul3A_191 = arith.constant 2048 : i32
    %mul3A_192 = vector.broadcast %mul3A_191 : i32 to vector<16xi32>
    %mul3A_193 = arith.muli %shift_right_logical3A_190, %mul3A_192 : vector<16xi32>
    %sub3A_194 = arith.subi %get3A_181, %mul3A_193 : vector<16xi32>
    %add3A_195 = arith.constant 0 : i32
    %add3A_196 = vector.broadcast %add3A_195 : i32 to vector<16xi32>
    %add3A_197 = arith.addi %add3A_196, %iota3A : vector<16xi32>
    tpu.vector_store_idx %arg6[%add3A_197, %sub3A_194], %broadcast_in_dim3A_3 : memref<16x2048xf32, #tpu.memory_space<vmem>>[vector<16xi32>, vector<16xi32>], vector<16xf32>,
    %add3A_198 = arith.constant 96 : i32
    %add3A_199 = arith.addi %mul3A_2, %add3A_198 : i32
    %dma_start3A_200 = arith.constant 0 : i32
    %dma_start3A_201 = tpu.memref_slice %arg5[%add3A_199, %dma_start3A_200] : memref<8192x2048xf32, #tpu.memory_space<hbm>> -> memref<16x2048xf32, #tpu.memory_space<hbm>>
    %dma_start3A_202 = arith.constant 0 : i32
    %dma_start3A_203 = tpu.memref_slice %arg5[%add3A_199, %dma_start3A_202] : memref<8192x2048xf32, #tpu.memory_space<hbm>> -> memref<16x2048xf32, #tpu.memory_space<hbm>>
    tpu.enqueue_dma source(%arg6 : memref<16x2048xf32, #tpu.memory_space<vmem>>) target(%dma_start3A_203 : memref<16x2048xf32, #tpu.memory_space<hbm>>) target_semaphore(%arg9 : memref<!tpu.dma_semaphore, #tpu.memory_space<semaphore_mem>>)
    %dma_wait3A_204 = arith.constant 0 : i32
    %dma_wait3A_205 = tpu.memref_slice %arg5[%add3A_168, %dma_wait3A_204] : memref<8192x2048xf32, #tpu.memory_space<hbm>> -> memref<16x2048xf32, #tpu.memory_space<hbm>>
    %dma_wait3A_206 = arith.constant 0 : i32
    %dma_wait3A_207 = tpu.memref_slice %arg5[%add3A_168, %dma_wait3A_206] : memref<8192x2048xf32, #tpu.memory_space<hbm>> -> memref<16x2048xf32, #tpu.memory_space<hbm>>
    tpu.wait_dma2 semaphore(%arg10 : memref<!tpu.dma_semaphore, #tpu.memory_space<semaphore_mem>>) src(%arg7 : memref<16x2048xf32, #tpu.memory_space<vmem>>) dst(%dma_wait3A_207 : memref<16x2048xf32, #tpu.memory_space<hbm>>)
    %add3A_208 = arith.constant 0 : i32
    %add3A_209 = vector.broadcast %add3A_208 : i32 to vector<16xi32>
    %add3A_210 = arith.addi %add3A_209, %iota3A : vector<16xi32>
    tpu.vector_store_idx %arg7[%add3A_210, %sub3A_163], %broadcast_in_dim3A_5 : memref<16x2048xf32, #tpu.memory_space<vmem>>[vector<16xi32>, vector<16xi32>], vector<16xf32>,
    %get3A_211 = arith.constant 112 : index
    %get3A_212 = tpu.vector_load %arg8[%get3A_211] {strides = array<i32>} : memref<256xi32, #tpu.memory_space<vmem>>, vector<16xi32>,
    %add3A_213 = arith.constant 112 : i32
    %add3A_214 = arith.addi %mul3A_2, %add3A_213 : i32
    %add3A_215 = arith.constant 0 : i32
    %add3A_216 = arith.addi %add3A_214, %add3A_215 : i32
    %add3A_217 = vector.broadcast %add3A_216 : i32 to vector<16xi32>
    %add3A_218 = arith.addi %iota3A, %add3A_217 : vector<16xi32>
    %shift_right_logical3A_219 = arith.constant 11 : i32
    %shift_right_logical3A_220 = vector.broadcast %shift_right_logical3A_219 : i32 to vector<16xi32>
    %shift_right_logical3A_221 = arith.shrui %add3A_218, %shift_right_logical3A_220 : vector<16xi32>
    %mul3A_222 = arith.constant 2048 : i32
    %mul3A_223 = vector.broadcast %mul3A_222 : i32 to vector<16xi32>
    %mul3A_224 = arith.muli %shift_right_logical3A_221, %mul3A_223 : vector<16xi32>
    %sub3A_225 = arith.subi %get3A_212, %mul3A_224 : vector<16xi32>
    %add3A_226 = arith.constant 0 : i32
    %add3A_227 = vector.broadcast %add3A_226 : i32 to vector<16xi32>
    %add3A_228 = arith.addi %add3A_227, %iota3A : vector<16xi32>
    tpu.vector_store_idx %arg7[%add3A_228, %sub3A_225], %broadcast_in_dim3A_3 : memref<16x2048xf32, #tpu.memory_space<vmem>>[vector<16xi32>, vector<16xi32>], vector<16xf32>,
    %add3A_229 = arith.constant 112 : i32
    %add3A_230 = arith.addi %mul3A_2, %add3A_229 : i32
    %dma_start3A_231 = arith.constant 0 : i32
    %dma_start3A_232 = tpu.memref_slice %arg5[%add3A_230, %dma_start3A_231] : memref<8192x2048xf32, #tpu.memory_space<hbm>> -> memref<16x2048xf32, #tpu.memory_space<hbm>>
    %dma_start3A_233 = arith.constant 0 : i32
    %dma_start3A_234 = tpu.memref_slice %arg5[%add3A_230, %dma_start3A_233] : memref<8192x2048xf32, #tpu.memory_space<hbm>> -> memref<16x2048xf32, #tpu.memory_space<hbm>>
    tpu.enqueue_dma source(%arg7 : memref<16x2048xf32, #tpu.memory_space<vmem>>) target(%dma_start3A_234 : memref<16x2048xf32, #tpu.memory_space<hbm>>) target_semaphore(%arg10 : memref<!tpu.dma_semaphore, #tpu.memory_space<semaphore_mem>>)
    %dma_wait3A_235 = arith.constant 0 : i32
    %dma_wait3A_236 = tpu.memref_slice %arg5[%add3A_199, %dma_wait3A_235] : memref<8192x2048xf32, #tpu.memory_space<hbm>> -> memref<16x2048xf32, #tpu.memory_space<hbm>>
    %dma_wait3A_237 = arith.constant 0 : i32
    %dma_wait3A_238 = tpu.memref_slice %arg5[%add3A_199, %dma_wait3A_237] : memref<8192x2048xf32, #tpu.memory_space<hbm>> -> memref<16x2048xf32, #tpu.memory_space<hbm>>
    tpu.wait_dma2 semaphore(%arg9 : memref<!tpu.dma_semaphore, #tpu.memory_space<semaphore_mem>>) src(%arg6 : memref<16x2048xf32, #tpu.memory_space<vmem>>) dst(%dma_wait3A_238 : memref<16x2048xf32, #tpu.memory_space<hbm>>)
    %add3A_239 = arith.constant 0 : i32
    %add3A_240 = vector.broadcast %add3A_239 : i32 to vector<16xi32>
    %add3A_241 = arith.addi %add3A_240, %iota3A : vector<16xi32>
    tpu.vector_store_idx %arg6[%add3A_241, %sub3A_194], %broadcast_in_dim3A_5 : memref<16x2048xf32, #tpu.memory_space<vmem>>[vector<16xi32>, vector<16xi32>], vector<16xf32>,
    %get3A_242 = arith.constant 128 : index
    %get3A_243 = tpu.vector_load %arg8[%get3A_242] {strides = array<i32>} : memref<256xi32, #tpu.memory_space<vmem>>, vector<16xi32>,
    %add3A_244 = arith.constant 128 : i32
    %add3A_245 = arith.addi %mul3A_2, %add3A_244 : i32
    %add3A_246 = arith.constant 0 : i32
    %add3A_247 = arith.addi %add3A_245, %add3A_246 : i32
    %add3A_248 = vector.broadcast %add3A_247 : i32 to vector<16xi32>
    %add3A_249 = arith.addi %iota3A, %add3A_248 : vector<16xi32>
    %shift_right_logical3A_250 = arith.constant 11 : i32
    %shift_right_logical3A_251 = vector.broadcast %shift_right_logical3A_250 : i32 to vector<16xi32>
    %shift_right_logical3A_252 = arith.shrui %add3A_249, %shift_right_logical3A_251 : vector<16xi32>
    %mul3A_253 = arith.constant 2048 : i32
    %mul3A_254 = vector.broadcast %mul3A_253 : i32 to vector<16xi32>
    %mul3A_255 = arith.muli %shift_right_logical3A_252, %mul3A_254 : vector<16xi32>
    %sub3A_256 = arith.subi %get3A_243, %mul3A_255 : vector<16xi32>
    %add3A_257 = arith.constant 0 : i32
    %add3A_258 = vector.broadcast %add3A_257 : i32 to vector<16xi32>
    %add3A_259 = arith.addi %add3A_258, %iota3A : vector<16xi32>
    tpu.vector_store_idx %arg6[%add3A_259, %sub3A_256], %broadcast_in_dim3A_3 : memref<16x2048xf32, #tpu.memory_space<vmem>>[vector<16xi32>, vector<16xi32>], vector<16xf32>,
    %add3A_260 = arith.constant 128 : i32
    %add3A_261 = arith.addi %mul3A_2, %add3A_260 : i32
    %dma_start3A_262 = arith.constant 0 : i32
    %dma_start3A_263 = tpu.memref_slice %arg5[%add3A_261, %dma_start3A_262] : memref<8192x2048xf32, #tpu.memory_space<hbm>> -> memref<16x2048xf32, #tpu.memory_space<hbm>>
    %dma_start3A_264 = arith.constant 0 : i32
    %dma_start3A_265 = tpu.memref_slice %arg5[%add3A_261, %dma_start3A_264] : memref<8192x2048xf32, #tpu.memory_space<hbm>> -> memref<16x2048xf32, #tpu.memory_space<hbm>>
    tpu.enqueue_dma source(%arg6 : memref<16x2048xf32, #tpu.memory_space<vmem>>) target(%dma_start3A_265 : memref<16x2048xf32, #tpu.memory_space<hbm>>) target_semaphore(%arg9 : memref<!tpu.dma_semaphore, #tpu.memory_space<semaphore_mem>>)
    %dma_wait3A_266 = arith.constant 0 : i32
    %dma_wait3A_267 = tpu.memref_slice %arg5[%add3A_230, %dma_wait3A_266] : memref<8192x2048xf32, #tpu.memory_space<hbm>> -> memref<16x2048xf32, #tpu.memory_space<hbm>>
    %dma_wait3A_268 = arith.constant 0 : i32
    %dma_wait3A_269 = tpu.memref_slice %arg5[%add3A_230, %dma_wait3A_268] : memref<8192x2048xf32, #tpu.memory_space<hbm>> -> memref<16x2048xf32, #tpu.memory_space<hbm>>
    tpu.wait_dma2 semaphore(%arg10 : memref<!tpu.dma_semaphore, #tpu.memory_space<semaphore_mem>>) src(%arg7 : memref<16x2048xf32, #tpu.memory_space<vmem>>) dst(%dma_wait3A_269 : memref<16x2048xf32, #tpu.memory_space<hbm>>)
    %add3A_270 = arith.constant 0 : i32
    %add3A_271 = vector.broadcast %add3A_270 : i32 to vector<16xi32>
    %add3A_272 = arith.addi %add3A_271, %iota3A : vector<16xi32>
    tpu.vector_store_idx %arg7[%add3A_272, %sub3A_225], %broadcast_in_dim3A_5 : memref<16x2048xf32, #tpu.memory_space<vmem>>[vector<16xi32>, vector<16xi32>], vector<16xf32>,
    %get3A_273 = arith.constant 144 : index
    %get3A_274 = tpu.vector_load %arg8[%get3A_273] {strides = array<i32>} : memref<256xi32, #tpu.memory_space<vmem>>, vector<16xi32>,
    %add3A_275 = arith.constant 144 : i32
    %add3A_276 = arith.addi %mul3A_2, %add3A_275 : i32
    %add3A_277 = arith.constant 0 : i32
    %add3A_278 = arith.addi %add3A_276, %add3A_277 : i32
    %add3A_279 = vector.broadcast %add3A_278 : i32 to vector<16xi32>
    %add3A_280 = arith.addi %iota3A, %add3A_279 : vector<16xi32>
    %shift_right_logical3A_281 = arith.constant 11 : i32
    %shift_right_logical3A_282 = vector.broadcast %shift_right_logical3A_281 : i32 to vector<16xi32>
    %shift_right_logical3A_283 = arith.shrui %add3A_280, %shift_right_logical3A_282 : vector<16xi32>
    %mul3A_284 = arith.constant 2048 : i32
    %mul3A_285 = vector.broadcast %mul3A_284 : i32 to vector<16xi32>
    %mul3A_286 = arith.muli %shift_right_logical3A_283, %mul3A_285 : vector<16xi32>
    %sub3A_287 = arith.subi %get3A_274, %mul3A_286 : vector<16xi32>
    %add3A_288 = arith.constant 0 : i32
    %add3A_289 = vector.broadcast %add3A_288 : i32 to vector<16xi32>
    %add3A_290 = arith.addi %add3A_289, %iota3A : vector<16xi32>
    tpu.vector_store_idx %arg7[%add3A_290, %sub3A_287], %broadcast_in_dim3A_3 : memref<16x2048xf32, #tpu.memory_space<vmem>>[vector<16xi32>, vector<16xi32>], vector<16xf32>,
    %add3A_291 = arith.constant 144 : i32
    %add3A_292 = arith.addi %mul3A_2, %add3A_291 : i32
    %dma_start3A_293 = arith.constant 0 : i32
    %dma_start3A_294 = tpu.memref_slice %arg5[%add3A_292, %dma_start3A_293] : memref<8192x2048xf32, #tpu.memory_space<hbm>> -> memref<16x2048xf32, #tpu.memory_space<hbm>>
    %dma_start3A_295 = arith.constant 0 : i32
    %dma_start3A_296 = tpu.memref_slice %arg5[%add3A_292, %dma_start3A_295] : memref<8192x2048xf32, #tpu.memory_space<hbm>> -> memref<16x2048xf32, #tpu.memory_space<hbm>>
    tpu.enqueue_dma source(%arg7 : memref<16x2048xf32, #tpu.memory_space<vmem>>) target(%dma_start3A_296 : memref<16x2048xf32, #tpu.memory_space<hbm>>) target_semaphore(%arg10 : memref<!tpu.dma_semaphore, #tpu.memory_space<semaphore_mem>>)
    %dma_wait3A_297 = arith.constant 0 : i32
    %dma_wait3A_298 = tpu.memref_slice %arg5[%add3A_261, %dma_wait3A_297] : memref<8192x2048xf32, #tpu.memory_space<hbm>> -> memref<16x2048xf32, #tpu.memory_space<hbm>>
    %dma_wait3A_299 = arith.constant 0 : i32
    %dma_wait3A_300 = tpu.memref_slice %arg5[%add3A_261, %dma_wait3A_299] : memref<8192x2048xf32, #tpu.memory_space<hbm>> -> memref<16x2048xf32, #tpu.memory_space<hbm>>
    tpu.wait_dma2 semaphore(%arg9 : memref<!tpu.dma_semaphore, #tpu.memory_space<semaphore_mem>>) src(%arg6 : memref<16x2048xf32, #tpu.memory_space<vmem>>) dst(%dma_wait3A_300 : memref<16x2048xf32, #tpu.memory_space<hbm>>)
    %add3A_301 = arith.constant 0 : i32
    %add3A_302 = vector.broadcast %add3A_301 : i32 to vector<16xi32>
    %add3A_303 = arith.addi %add3A_302, %iota3A : vector<16xi32>
    tpu.vector_store_idx %arg6[%add3A_303, %sub3A_256], %broadcast_in_dim3A_5 : memref<16x2048xf32, #tpu.memory_space<vmem>>[vector<16xi32>, vector<16xi32>], vector<16xf32>,
    %get3A_304 = arith.constant 160 : index
    %get3A_305 = tpu.vector_load %arg8[%get3A_304] {strides = array<i32>} : memref<256xi32, #tpu.memory_space<vmem>>, vector<16xi32>,
    %add3A_306 = arith.constant 160 : i32
    %add3A_307 = arith.addi %mul3A_2, %add3A_306 : i32
    %add3A_308 = arith.constant 0 : i32
    %add3A_309 = arith.addi %add3A_307, %add3A_308 : i32
    %add3A_310 = vector.broadcast %add3A_309 : i32 to vector<16xi32>
    %add3A_311 = arith.addi %iota3A, %add3A_310 : vector<16xi32>
    %shift_right_logical3A_312 = arith.constant 11 : i32
    %shift_right_logical3A_313 = vector.broadcast %shift_right_logical3A_312 : i32 to vector<16xi32>
    %shift_right_logical3A_314 = arith.shrui %add3A_311, %shift_right_logical3A_313 : vector<16xi32>
    %mul3A_315 = arith.constant 2048 : i32
    %mul3A_316 = vector.broadcast %mul3A_315 : i32 to vector<16xi32>
    %mul3A_317 = arith.muli %shift_right_logical3A_314, %mul3A_316 : vector<16xi32>
    %sub3A_318 = arith.subi %get3A_305, %mul3A_317 : vector<16xi32>
    %add3A_319 = arith.constant 0 : i32
    %add3A_320 = vector.broadcast %add3A_319 : i32 to vector<16xi32>
    %add3A_321 = arith.addi %add3A_320, %iota3A : vector<16xi32>
    tpu.vector_store_idx %arg6[%add3A_321, %sub3A_318], %broadcast_in_dim3A_3 : memref<16x2048xf32, #tpu.memory_space<vmem>>[vector<16xi32>, vector<16xi32>], vector<16xf32>,
    %add3A_322 = arith.constant 160 : i32
    %add3A_323 = arith.addi %mul3A_2, %add3A_322 : i32
    %dma_start3A_324 = arith.constant 0 : i32
    %dma_start3A_325 = tpu.memref_slice %arg5[%add3A_323, %dma_start3A_324] : memref<8192x2048xf32, #tpu.memory_space<hbm>> -> memref<16x2048xf32, #tpu.memory_space<hbm>>
    %dma_start3A_326 = arith.constant 0 : i32
    %dma_start3A_327 = tpu.memref_slice %arg5[%add3A_323, %dma_start3A_326] : memref<8192x2048xf32, #tpu.memory_space<hbm>> -> memref<16x2048xf32, #tpu.memory_space<hbm>>
    tpu.enqueue_dma source(%arg6 : memref<16x2048xf32, #tpu.memory_space<vmem>>) target(%dma_start3A_327 : memref<16x2048xf32, #tpu.memory_space<hbm>>) target_semaphore(%arg9 : memref<!tpu.dma_semaphore, #tpu.memory_space<semaphore_mem>>)
    %dma_wait3A_328 = arith.constant 0 : i32
    %dma_wait3A_329 = tpu.memref_slice %arg5[%add3A_292, %dma_wait3A_328] : memref<8192x2048xf32, #tpu.memory_space<hbm>> -> memref<16x2048xf32, #tpu.memory_space<hbm>>
    %dma_wait3A_330 = arith.constant 0 : i32
    %dma_wait3A_331 = tpu.memref_slice %arg5[%add3A_292, %dma_wait3A_330] : memref<8192x2048xf32, #tpu.memory_space<hbm>> -> memref<16x2048xf32, #tpu.memory_space<hbm>>
    tpu.wait_dma2 semaphore(%arg10 : memref<!tpu.dma_semaphore, #tpu.memory_space<semaphore_mem>>) src(%arg7 : memref<16x2048xf32, #tpu.memory_space<vmem>>) dst(%dma_wait3A_331 : memref<16x2048xf32, #tpu.memory_space<hbm>>)
    %add3A_332 = arith.constant 0 : i32
    %add3A_333 = vector.broadcast %add3A_332 : i32 to vector<16xi32>
    %add3A_334 = arith.addi %add3A_333, %iota3A : vector<16xi32>
    tpu.vector_store_idx %arg7[%add3A_334, %sub3A_287], %broadcast_in_dim3A_5 : memref<16x2048xf32, #tpu.memory_space<vmem>>[vector<16xi32>, vector<16xi32>], vector<16xf32>,
    %get3A_335 = arith.constant 176 : index
    %get3A_336 = tpu.vector_load %arg8[%get3A_335] {strides = array<i32>} : memref<256xi32, #tpu.memory_space<vmem>>, vector<16xi32>,
    %add3A_337 = arith.constant 176 : i32
    %add3A_338 = arith.addi %mul3A_2, %add3A_337 : i32
    %add3A_339 = arith.constant 0 : i32
    %add3A_340 = arith.addi %add3A_338, %add3A_339 : i32
    %add3A_341 = vector.broadcast %add3A_340 : i32 to vector<16xi32>
    %add3A_342 = arith.addi %iota3A, %add3A_341 : vector<16xi32>
    %shift_right_logical3A_343 = arith.constant 11 : i32
    %shift_right_logical3A_344 = vector.broadcast %shift_right_logical3A_343 : i32 to vector<16xi32>
    %shift_right_logical3A_345 = arith.shrui %add3A_342, %shift_right_logical3A_344 : vector<16xi32>
    %mul3A_346 = arith.constant 2048 : i32
    %mul3A_347 = vector.broadcast %mul3A_346 : i32 to vector<16xi32>
    %mul3A_348 = arith.muli %shift_right_logical3A_345, %mul3A_347 : vector<16xi32>
    %sub3A_349 = arith.subi %get3A_336, %mul3A_348 : vector<16xi32>
    %add3A_350 = arith.constant 0 : i32
    %add3A_351 = vector.broadcast %add3A_350 : i32 to vector<16xi32>
    %add3A_352 = arith.addi %add3A_351, %iota3A : vector<16xi32>
    tpu.vector_store_idx %arg7[%add3A_352, %sub3A_349], %broadcast_in_dim3A_3 : memref<16x2048xf32, #tpu.memory_space<vmem>>[vector<16xi32>, vector<16xi32>], vector<16xf32>,
    %add3A_353 = arith.constant 176 : i32
    %add3A_354 = arith.addi %mul3A_2, %add3A_353 : i32
    %dma_start3A_355 = arith.constant 0 : i32
    %dma_start3A_356 = tpu.memref_slice %arg5[%add3A_354, %dma_start3A_355] : memref<8192x2048xf32, #tpu.memory_space<hbm>> -> memref<16x2048xf32, #tpu.memory_space<hbm>>
    %dma_start3A_357 = arith.constant 0 : i32
    %dma_start3A_358 = tpu.memref_slice %arg5[%add3A_354, %dma_start3A_357] : memref<8192x2048xf32, #tpu.memory_space<hbm>> -> memref<16x2048xf32, #tpu.memory_space<hbm>>
    tpu.enqueue_dma source(%arg7 : memref<16x2048xf32, #tpu.memory_space<vmem>>) target(%dma_start3A_358 : memref<16x2048xf32, #tpu.memory_space<hbm>>) target_semaphore(%arg10 : memref<!tpu.dma_semaphore, #tpu.memory_space<semaphore_mem>>)
    %dma_wait3A_359 = arith.constant 0 : i32
    %dma_wait3A_360 = tpu.memref_slice %arg5[%add3A_323, %dma_wait3A_359] : memref<8192x2048xf32, #tpu.memory_space<hbm>> -> memref<16x2048xf32, #tpu.memory_space<hbm>>
    %dma_wait3A_361 = arith.constant 0 : i32
    %dma_wait3A_362 = tpu.memref_slice %arg5[%add3A_323, %dma_wait3A_361] : memref<8192x2048xf32, #tpu.memory_space<hbm>> -> memref<16x2048xf32, #tpu.memory_space<hbm>>
    tpu.wait_dma2 semaphore(%arg9 : memref<!tpu.dma_semaphore, #tpu.memory_space<semaphore_mem>>) src(%arg6 : memref<16x2048xf32, #tpu.memory_space<vmem>>) dst(%dma_wait3A_362 : memref<16x2048xf32, #tpu.memory_space<hbm>>)
    %add3A_363 = arith.constant 0 : i32
    %add3A_364 = vector.broadcast %add3A_363 : i32 to vector<16xi32>
    %add3A_365 = arith.addi %add3A_364, %iota3A : vector<16xi32>
    tpu.vector_store_idx %arg6[%add3A_365, %sub3A_318], %broadcast_in_dim3A_5 : memref<16x2048xf32, #tpu.memory_space<vmem>>[vector<16xi32>, vector<16xi32>], vector<16xf32>,
    %get3A_366 = arith.constant 192 : index
    %get3A_367 = tpu.vector_load %arg8[%get3A_366] {strides = array<i32>} : memref<256xi32, #tpu.memory_space<vmem>>, vector<16xi32>,
    %add3A_368 = arith.constant 192 : i32
    %add3A_369 = arith.addi %mul3A_2, %add3A_368 : i32
    %add3A_370 = arith.constant 0 : i32
    %add3A_371 = arith.addi %add3A_369, %add3A_370 : i32
    %add3A_372 = vector.broadcast %add3A_371 : i32 to vector<16xi32>
    %add3A_373 = arith.addi %iota3A, %add3A_372 : vector<16xi32>
    %shift_right_logical3A_374 = arith.constant 11 : i32
    %shift_right_logical3A_375 = vector.broadcast %shift_right_logical3A_374 : i32 to vector<16xi32>
    %shift_right_logical3A_376 = arith.shrui %add3A_373, %shift_right_logical3A_375 : vector<16xi32>
    %mul3A_377 = arith.constant 2048 : i32
    %mul3A_378 = vector.broadcast %mul3A_377 : i32 to vector<16xi32>
    %mul3A_379 = arith.muli %shift_right_logical3A_376, %mul3A_378 : vector<16xi32>
    %sub3A_380 = arith.subi %get3A_367, %mul3A_379 : vector<16xi32>
    %add3A_381 = arith.constant 0 : i32
    %add3A_382 = vector.broadcast %add3A_381 : i32 to vector<16xi32>
    %add3A_383 = arith.addi %add3A_382, %iota3A : vector<16xi32>
    tpu.vector_store_idx %arg6[%add3A_383, %sub3A_380], %broadcast_in_dim3A_3 : memref<16x2048xf32, #tpu.memory_space<vmem>>[vector<16xi32>, vector<16xi32>], vector<16xf32>,
    %add3A_384 = arith.constant 192 : i32
    %add3A_385 = arith.addi %mul3A_2, %add3A_384 : i32
    %dma_start3A_386 = arith.constant 0 : i32
    %dma_start3A_387 = tpu.memref_slice %arg5[%add3A_385, %dma_start3A_386] : memref<8192x2048xf32, #tpu.memory_space<hbm>> -> memref<16x2048xf32, #tpu.memory_space<hbm>>
    %dma_start3A_388 = arith.constant 0 : i32
    %dma_start3A_389 = tpu.memref_slice %arg5[%add3A_385, %dma_start3A_388] : memref<8192x2048xf32, #tpu.memory_space<hbm>> -> memref<16x2048xf32, #tpu.memory_space<hbm>>
    tpu.enqueue_dma source(%arg6 : memref<16x2048xf32, #tpu.memory_space<vmem>>) target(%dma_start3A_389 : memref<16x2048xf32, #tpu.memory_space<hbm>>) target_semaphore(%arg9 : memref<!tpu.dma_semaphore, #tpu.memory_space<semaphore_mem>>)
    %dma_wait3A_390 = arith.constant 0 : i32
    %dma_wait3A_391 = tpu.memref_slice %arg5[%add3A_354, %dma_wait3A_390] : memref<8192x2048xf32, #tpu.memory_space<hbm>> -> memref<16x2048xf32, #tpu.memory_space<hbm>>
    %dma_wait3A_392 = arith.constant 0 : i32
    %dma_wait3A_393 = tpu.memref_slice %arg5[%add3A_354, %dma_wait3A_392] : memref<8192x2048xf32, #tpu.memory_space<hbm>> -> memref<16x2048xf32, #tpu.memory_space<hbm>>
    tpu.wait_dma2 semaphore(%arg10 : memref<!tpu.dma_semaphore, #tpu.memory_space<semaphore_mem>>) src(%arg7 : memref<16x2048xf32, #tpu.memory_space<vmem>>) dst(%dma_wait3A_393 : memref<16x2048xf32, #tpu.memory_space<hbm>>)
    %add3A_394 = arith.constant 0 : i32
    %add3A_395 = vector.broadcast %add3A_394 : i32 to vector<16xi32>
    %add3A_396 = arith.addi %add3A_395, %iota3A : vector<16xi32>
    tpu.vector_store_idx %arg7[%add3A_396, %sub3A_349], %broadcast_in_dim3A_5 : memref<16x2048xf32, #tpu.memory_space<vmem>>[vector<16xi32>, vector<16xi32>], vector<16xf32>,
    %get3A_397 = arith.constant 208 : index
    %get3A_398 = tpu.vector_load %arg8[%get3A_397] {strides = array<i32>} : memref<256xi32, #tpu.memory_space<vmem>>, vector<16xi32>,
    %add3A_399 = arith.constant 208 : i32
    %add3A_400 = arith.addi %mul3A_2, %add3A_399 : i32
    %add3A_401 = arith.constant 0 : i32
    %add3A_402 = arith.addi %add3A_400, %add3A_401 : i32
    %add3A_403 = vector.broadcast %add3A_402 : i32 to vector<16xi32>
    %add3A_404 = arith.addi %iota3A, %add3A_403 : vector<16xi32>
    %shift_right_logical3A_405 = arith.constant 11 : i32
    %shift_right_logical3A_406 = vector.broadcast %shift_right_logical3A_405 : i32 to vector<16xi32>
    %shift_right_logical3A_407 = arith.shrui %add3A_404, %shift_right_logical3A_406 : vector<16xi32>
    %mul3A_408 = arith.constant 2048 : i32
    %mul3A_409 = vector.broadcast %mul3A_408 : i32 to vector<16xi32>
    %mul3A_410 = arith.muli %shift_right_logical3A_407, %mul3A_409 : vector<16xi32>
    %sub3A_411 = arith.subi %get3A_398, %mul3A_410 : vector<16xi32>
    %add3A_412 = arith.constant 0 : i32
    %add3A_413 = vector.broadcast %add3A_412 : i32 to vector<16xi32>
    %add3A_414 = arith.addi %add3A_413, %iota3A : vector<16xi32>
    tpu.vector_store_idx %arg7[%add3A_414, %sub3A_411], %broadcast_in_dim3A_3 : memref<16x2048xf32, #tpu.memory_space<vmem>>[vector<16xi32>, vector<16xi32>], vector<16xf32>,
    %add3A_415 = arith.constant 208 : i32
    %add3A_416 = arith.addi %mul3A_2, %add3A_415 : i32
    %dma_start3A_417 = arith.constant 0 : i32
    %dma_start3A_418 = tpu.memref_slice %arg5[%add3A_416, %dma_start3A_417] : memref<8192x2048xf32, #tpu.memory_space<hbm>> -> memref<16x2048xf32, #tpu.memory_space<hbm>>
    %dma_start3A_419 = arith.constant 0 : i32
    %dma_start3A_420 = tpu.memref_slice %arg5[%add3A_416, %dma_start3A_419] : memref<8192x2048xf32, #tpu.memory_space<hbm>> -> memref<16x2048xf32, #tpu.memory_space<hbm>>
    tpu.enqueue_dma source(%arg7 : memref<16x2048xf32, #tpu.memory_space<vmem>>) target(%dma_start3A_420 : memref<16x2048xf32, #tpu.memory_space<hbm>>) target_semaphore(%arg10 : memref<!tpu.dma_semaphore, #tpu.memory_space<semaphore_mem>>)
    %dma_wait3A_421 = arith.constant 0 : i32
    %dma_wait3A_422 = tpu.memref_slice %arg5[%add3A_385, %dma_wait3A_421] : memref<8192x2048xf32, #tpu.memory_space<hbm>> -> memref<16x2048xf32, #tpu.memory_space<hbm>>
    %dma_wait3A_423 = arith.constant 0 : i32
    %dma_wait3A_424 = tpu.memref_slice %arg5[%add3A_385, %dma_wait3A_423] : memref<8192x2048xf32, #tpu.memory_space<hbm>> -> memref<16x2048xf32, #tpu.memory_space<hbm>>
    tpu.wait_dma2 semaphore(%arg9 : memref<!tpu.dma_semaphore, #tpu.memory_space<semaphore_mem>>) src(%arg6 : memref<16x2048xf32, #tpu.memory_space<vmem>>) dst(%dma_wait3A_424 : memref<16x2048xf32, #tpu.memory_space<hbm>>)
    %add3A_425 = arith.constant 0 : i32
    %add3A_426 = vector.broadcast %add3A_425 : i32 to vector<16xi32>
    %add3A_427 = arith.addi %add3A_426, %iota3A : vector<16xi32>
    tpu.vector_store_idx %arg6[%add3A_427, %sub3A_380], %broadcast_in_dim3A_5 : memref<16x2048xf32, #tpu.memory_space<vmem>>[vector<16xi32>, vector<16xi32>], vector<16xf32>,
    %get3A_428 = arith.constant 224 : index
    %get3A_429 = tpu.vector_load %arg8[%get3A_428] {strides = array<i32>} : memref<256xi32, #tpu.memory_space<vmem>>, vector<16xi32>,
    %add3A_430 = arith.constant 224 : i32
    %add3A_431 = arith.addi %mul3A_2, %add3A_430 : i32
    %add3A_432 = arith.constant 0 : i32
    %add3A_433 = arith.addi %add3A_431, %add3A_432 : i32
    %add3A_434 = vector.broadcast %add3A_433 : i32 to vector<16xi32>
    %add3A_435 = arith.addi %iota3A, %add3A_434 : vector<16xi32>
    %shift_right_logical3A_436 = arith.constant 11 : i32
    %shift_right_logical3A_437 = vector.broadcast %shift_right_logical3A_436 : i32 to vector<16xi32>
    %shift_right_logical3A_438 = arith.shrui %add3A_435, %shift_right_logical3A_437 : vector<16xi32>
    %mul3A_439 = arith.constant 2048 : i32
    %mul3A_440 = vector.broadcast %mul3A_439 : i32 to vector<16xi32>
    %mul3A_441 = arith.muli %shift_right_logical3A_438, %mul3A_440 : vector<16xi32>
    %sub3A_442 = arith.subi %get3A_429, %mul3A_441 : vector<16xi32>
    %add3A_443 = arith.constant 0 : i32
    %add3A_444 = vector.broadcast %add3A_443 : i32 to vector<16xi32>
    %add3A_445 = arith.addi %add3A_444, %iota3A : vector<16xi32>
    tpu.vector_store_idx %arg6[%add3A_445, %sub3A_442], %broadcast_in_dim3A_3 : memref<16x2048xf32, #tpu.memory_space<vmem>>[vector<16xi32>, vector<16xi32>], vector<16xf32>,
    %add3A_446 = arith.constant 224 : i32
    %add3A_447 = arith.addi %mul3A_2, %add3A_446 : i32
    %dma_start3A_448 = arith.constant 0 : i32
    %dma_start3A_449 = tpu.memref_slice %arg5[%add3A_447, %dma_start3A_448] : memref<8192x2048xf32, #tpu.memory_space<hbm>> -> memref<16x2048xf32, #tpu.memory_space<hbm>>
    %dma_start3A_450 = arith.constant 0 : i32
    %dma_start3A_451 = tpu.memref_slice %arg5[%add3A_447, %dma_start3A_450] : memref<8192x2048xf32, #tpu.memory_space<hbm>> -> memref<16x2048xf32, #tpu.memory_space<hbm>>
    tpu.enqueue_dma source(%arg6 : memref<16x2048xf32, #tpu.memory_space<vmem>>) target(%dma_start3A_451 : memref<16x2048xf32, #tpu.memory_space<hbm>>) target_semaphore(%arg9 : memref<!tpu.dma_semaphore, #tpu.memory_space<semaphore_mem>>)
    %dma_wait3A_452 = arith.constant 0 : i32
    %dma_wait3A_453 = tpu.memref_slice %arg5[%add3A_416, %dma_wait3A_452] : memref<8192x2048xf32, #tpu.memory_space<hbm>> -> memref<16x2048xf32, #tpu.memory_space<hbm>>
    %dma_wait3A_454 = arith.constant 0 : i32
    %dma_wait3A_455 = tpu.memref_slice %arg5[%add3A_416, %dma_wait3A_454] : memref<8192x2048xf32, #tpu.memory_space<hbm>> -> memref<16x2048xf32, #tpu.memory_space<hbm>>
    tpu.wait_dma2 semaphore(%arg10 : memref<!tpu.dma_semaphore, #tpu.memory_space<semaphore_mem>>) src(%arg7 : memref<16x2048xf32, #tpu.memory_space<vmem>>) dst(%dma_wait3A_455 : memref<16x2048xf32, #tpu.memory_space<hbm>>)
    %add3A_456 = arith.constant 0 : i32
    %add3A_457 = vector.broadcast %add3A_456 : i32 to vector<16xi32>
    %add3A_458 = arith.addi %add3A_457, %iota3A : vector<16xi32>
    tpu.vector_store_idx %arg7[%add3A_458, %sub3A_411], %broadcast_in_dim3A_5 : memref<16x2048xf32, #tpu.memory_space<vmem>>[vector<16xi32>, vector<16xi32>], vector<16xf32>,
    %get3A_459 = arith.constant 240 : index
    %get3A_460 = tpu.vector_load %arg8[%get3A_459] {strides = array<i32>} : memref<256xi32, #tpu.memory_space<vmem>>, vector<16xi32>,
    %add3A_461 = arith.constant 240 : i32
    %add3A_462 = arith.addi %mul3A_2, %add3A_461 : i32
    %add3A_463 = arith.constant 0 : i32
    %add3A_464 = arith.addi %add3A_462, %add3A_463 : i32
    %add3A_465 = vector.broadcast %add3A_464 : i32 to vector<16xi32>
    %add3A_466 = arith.addi %iota3A, %add3A_465 : vector<16xi32>
    %shift_right_logical3A_467 = arith.constant 11 : i32
    %shift_right_logical3A_468 = vector.broadcast %shift_right_logical3A_467 : i32 to vector<16xi32>
    %shift_right_logical3A_469 = arith.shrui %add3A_466, %shift_right_logical3A_468 : vector<16xi32>
    %mul3A_470 = arith.constant 2048 : i32
    %mul3A_471 = vector.broadcast %mul3A_470 : i32 to vector<16xi32>
    %mul3A_472 = arith.muli %shift_right_logical3A_469, %mul3A_471 : vector<16xi32>
    %sub3A_473 = arith.subi %get3A_460, %mul3A_472 : vector<16xi32>
    %add3A_474 = arith.constant 0 : i32
    %add3A_475 = vector.broadcast %add3A_474 : i32 to vector<16xi32>
    %add3A_476 = arith.addi %add3A_475, %iota3A : vector<16xi32>
    tpu.vector_store_idx %arg7[%add3A_476, %sub3A_473], %broadcast_in_dim3A_3 : memref<16x2048xf32, #tpu.memory_space<vmem>>[vector<16xi32>, vector<16xi32>], vector<16xf32>,
    %add3A_477 = arith.constant 240 : i32
    %add3A_478 = arith.addi %mul3A_2, %add3A_477 : i32
    %dma_start3A_479 = arith.constant 0 : i32
    %dma_start3A_480 = tpu.memref_slice %arg5[%add3A_478, %dma_start3A_479] : memref<8192x2048xf32, #tpu.memory_space<hbm>> -> memref<16x2048xf32, #tpu.memory_space<hbm>>
    %dma_start3A_481 = arith.constant 0 : i32
    %dma_start3A_482 = tpu.memref_slice %arg5[%add3A_478, %dma_start3A_481] : memref<8192x2048xf32, #tpu.memory_space<hbm>> -> memref<16x2048xf32, #tpu.memory_space<hbm>>
    tpu.enqueue_dma source(%arg7 : memref<16x2048xf32, #tpu.memory_space<vmem>>) target(%dma_start3A_482 : memref<16x2048xf32, #tpu.memory_space<hbm>>) target_semaphore(%arg10 : memref<!tpu.dma_semaphore, #tpu.memory_space<semaphore_mem>>)
    %dma_wait3A_483 = arith.constant 0 : i32
    %dma_wait3A_484 = tpu.memref_slice %arg5[%add3A_447, %dma_wait3A_483] : memref<8192x2048xf32, #tpu.memory_space<hbm>> -> memref<16x2048xf32, #tpu.memory_space<hbm>>
    %dma_wait3A_485 = arith.constant 0 : i32
    %dma_wait3A_486 = tpu.memref_slice %arg5[%add3A_447, %dma_wait3A_485] : memref<8192x2048xf32, #tpu.memory_space<hbm>> -> memref<16x2048xf32, #tpu.memory_space<hbm>>
    tpu.wait_dma2 semaphore(%arg9 : memref<!tpu.dma_semaphore, #tpu.memory_space<semaphore_mem>>) src(%arg6 : memref<16x2048xf32, #tpu.memory_space<vmem>>) dst(%dma_wait3A_486 : memref<16x2048xf32, #tpu.memory_space<hbm>>)
    %dma_wait3A_487 = arith.constant 0 : i32
    %dma_wait3A_488 = tpu.memref_slice %arg5[%add3A_478, %dma_wait3A_487] : memref<8192x2048xf32, #tpu.memory_space<hbm>> -> memref<16x2048xf32, #tpu.memory_space<hbm>>
    %dma_wait3A_489 = arith.constant 0 : i32
    %dma_wait3A_490 = tpu.memref_slice %arg5[%add3A_478, %dma_wait3A_489] : memref<8192x2048xf32, #tpu.memory_space<hbm>> -> memref<16x2048xf32, #tpu.memory_space<hbm>>
    tpu.wait_dma2 semaphore(%arg10 : memref<!tpu.dma_semaphore, #tpu.memory_space<semaphore_mem>>) src(%arg7 : memref<16x2048xf32, #tpu.memory_space<vmem>>) dst(%dma_wait3A_490 : memref<16x2048xf32, #tpu.memory_space<hbm>>)
    return
  }
}

#map = affine_map<(d0, d1) -> (0)>
#map1 = affine_map<(d0, d1) -> (0, 0)>
module attributes {stable_mosaic.version = 14 : i64} {
  func.func @_sc_colgather_body(%arg0: i32, %arg1: i32, %arg2: memref<8192xi32, #tpu.memory_space<hbm>>, %arg3: memref<8192x1024xf32, #tpu.memory_space<hbm>>, %arg4: memref<8192xi32, #tpu.memory_space<hbm>>, %arg5: memref<8192x1024xf32, #tpu.memory_space<hbm>>, %arg6: memref<2048xi32, #tpu.memory_space<vmem>>, %arg7: memref<2048xi32, #tpu.memory_space<vmem>>, %arg8: memref<256xi32, #tpu.memory_space<vmem>>, %arg9: memref<32x1024xf32, #tpu.memory_space<vmem>>, %arg10: memref<32x1024xf32, #tpu.memory_space<vmem>>, %arg11: memref<!tpu.dma_semaphore, #tpu.memory_space<semaphore_mem>>, %arg12: memref<!tpu.dma_semaphore, #tpu.memory_space<semaphore_mem>>, %arg13: memref<!tpu.dma_semaphore, #tpu.memory_space<semaphore_mem>>, %arg14: memref<!tpu.dma_semaphore, #tpu.memory_space<semaphore_mem>>) attributes {dimension_semantics = [#tpu.dimension_semantics<core_parallel>, #tpu.dimension_semantics<subcore_parallel>], iteration_bounds = array<i64: 2, 16>, scalar_prefetch = 0 : i64, scratch_operands = 9 : i64, tpu.core_type = #tpu.core_type<sc_vector_subcore>, window_params = [{transform_indices = #map}, {transform_indices = #map1}, {transform_indices = #map}, {transform_indices = #map1}]} {
    %lt3A = arith.constant 2 : i32
    %lt3A_0 = arith.cmpi slt, %arg1, %lt3A : i32
    %convert_element_type3A = arith.extui %lt3A_0 : i1 to i32
    %cond3A = arith.constant 0 : i32
    %cond3A_1 = arith.cmpi ne, %convert_element_type3A, %cond3A : i32
    scf.if %cond3A_1 {
      %mul3A_173 = arith.constant 2 : i32
      %mul3A_174 = arith.muli %mul3A_173, %arg1 : i32
      %add3A_175 = arith.addi %arg0, %mul3A_174 : i32
      %mul3A_176 = arith.constant 2048 : i32
      %mul3A_177 = arith.muli %add3A_175, %mul3A_176 : i32
      "tpu.region"() ({
        %run_scoped3A = tpu.sem_alloc : memref<!tpu.dma_semaphore, #tpu.memory_space<semaphore_mem>>
        %dma_start3A_186 = tpu.memref_slice %arg2[%mul3A_177] : memref<8192xi32, #tpu.memory_space<hbm>> -> memref<2048xi32, #tpu.memory_space<hbm>>
        %dma_start3A_187 = tpu.memref_slice %arg2[%mul3A_177] : memref<8192xi32, #tpu.memory_space<hbm>> -> memref<2048xi32, #tpu.memory_space<hbm>>
        tpu.enqueue_dma source(%dma_start3A_187 : memref<2048xi32, #tpu.memory_space<hbm>>) target(%arg6 : memref<2048xi32, #tpu.memory_space<vmem>>) target_semaphore(%run_scoped3A : memref<!tpu.dma_semaphore, #tpu.memory_space<semaphore_mem>>)
        %dma_wait3A_188 = tpu.memref_slice %arg2[%mul3A_177] : memref<8192xi32, #tpu.memory_space<hbm>> -> memref<2048xi32, #tpu.memory_space<hbm>>
        %dma_wait3A_189 = tpu.memref_slice %arg2[%mul3A_177] : memref<8192xi32, #tpu.memory_space<hbm>> -> memref<2048xi32, #tpu.memory_space<hbm>>
        tpu.wait_dma2 semaphore(%run_scoped3A : memref<!tpu.dma_semaphore, #tpu.memory_space<semaphore_mem>>) src(%dma_wait3A_189 : memref<2048xi32, #tpu.memory_space<hbm>>) dst(%arg6 : memref<2048xi32, #tpu.memory_space<vmem>>)
        tpu.yield
      }) : () -> ()
      %scan3A = arith.constant 0 : i32
      %scan3A_178 = arith.constant 0 : i32
      %scan3A_179 = arith.constant 128 : i32
      %scan3A_180 = arith.addi %scan3A_178, %scan3A_179 : i32
      %scan3A_181 = arith.constant 1 : i32
      %scan3A_182 = scf.for %scan3A_186 = %scan3A_178 to %scan3A_180 step %scan3A_181 iter_args(%scan3A_187 = %scan3A) -> (i32)  : i32 {
        %mul3A_188 = arith.constant 16 : i32
        %mul3A_189 = arith.muli %scan3A_186, %mul3A_188 : i32
        %get3A = arith.index_cast %mul3A_189 : i32 to index
        %get3A_190 = tpu.vector_load %arg6[%get3A] {strides = array<i32>} : memref<2048xi32, #tpu.memory_space<vmem>>, vector<16xi32>,
        %sub3A_191 = arith.constant 3 : i32
        %sub3A_192 = vector.broadcast %sub3A_191 : i32 to vector<16xi32>
        %sub3A_193 = arith.subi %sub3A_192, %get3A_190 : vector<16xi32>
        %max3A = arith.constant 0 : i32
        %max3A_194 = vector.broadcast %max3A : i32 to vector<16xi32>
        %max3A_195 = arith.maxsi %sub3A_193, %max3A_194 : vector<16xi32>
        %min3A = arith.constant 1 : i32
        %min3A_196 = vector.broadcast %min3A : i32 to vector<16xi32>
        %min3A_197 = arith.minsi %max3A_195, %min3A_196 : vector<16xi32>
        %iota3A = tpu.iota {dimensions = array<i32: 0>} : vector<16xi32>
        %mul3A_198 = arith.constant 16 : i32
        %mul3A_199 = arith.muli %scan3A_186, %mul3A_198 : i32
        %add3A_200 = vector.broadcast %mul3A_199 : i32 to vector<16xi32>
        %add3A_201 = arith.addi %iota3A, %add3A_200 : vector<16xi32>
        %min3A_202 = arith.constant 1 : i32
        %min3A_203 = vector.broadcast %min3A_202 : i32 to vector<16xi32>
        %min3A_204 = arith.minsi %add3A_201, %min3A_203 : vector<16xi32>
        %mul3A_205 = arith.muli %min3A_197, %min3A_204 : vector<16xi32>
        %broadcast_in_dim3A = arith.constant true
        %broadcast_in_dim3A_206 = vector.broadcast %broadcast_in_dim3A : i1 to vector<16xi1>
        %masked_cumsum3A = tpu.scan <sum>, %mul3A_205 masked %broadcast_in_dim3A_206 : vector<16xi32>, vector<16xi1> -> vector<16xi32>
        %add3A_207 = vector.broadcast %scan3A_187 : i32 to vector<16xi32>
        %add3A_208 = arith.addi %masked_cumsum3A, %add3A_207 : vector<16xi32>
        %sub3A_209 = arith.subi %add3A_201, %add3A_208 : vector<16xi32>
        %sub3A_210 = arith.constant 1 : i32
        %sub3A_211 = vector.broadcast %sub3A_210 : i32 to vector<16xi32>
        %sub3A_212 = arith.subi %sub3A_209, %sub3A_211 : vector<16xi32>
        %shift_right_arithmetic3A = arith.constant 31 : i32
        %shift_right_arithmetic3A_213 = vector.broadcast %shift_right_arithmetic3A : i32 to vector<16xi32>
        %shift_right_arithmetic3A_214 = arith.shrsi %sub3A_212, %shift_right_arithmetic3A_213 : vector<16xi32>
        %mul3A_215 = arith.constant 2048 : i32
        %mul3A_216 = vector.broadcast %mul3A_215 : i32 to vector<16xi32>
        %mul3A_217 = arith.muli %shift_right_arithmetic3A_214, %mul3A_216 : vector<16xi32>
        %sub3A_218 = arith.subi %sub3A_212, %mul3A_217 : vector<16xi32>
        %min3A_219 = arith.constant 1 : i32
        %min3A_220 = vector.broadcast %min3A_219 : i32 to vector<16xi32>
        %min3A_221 = arith.minsi %add3A_201, %min3A_220 : vector<16xi32>
        %mul3A_222 = arith.muli %sub3A_218, %min3A_221 : vector<16xi32>
        %mul3A_223 = arith.constant 2048 : i32
        %mul3A_224 = arith.muli %add3A_175, %mul3A_223 : i32
        %add3A_225 = vector.broadcast %mul3A_224 : i32 to vector<16xi32>
        %add3A_226 = arith.addi %mul3A_222, %add3A_225 : vector<16xi32>
        %mul3A_227 = arith.constant 16 : i32
        %mul3A_228 = arith.muli %scan3A_186, %mul3A_227 : i32
        %swap3A = arith.index_cast %mul3A_228 : i32 to index
        %swap3A_229 = tpu.vector_load %arg7[%swap3A] {strides = array<i32>} : memref<2048xi32, #tpu.memory_space<vmem>>, vector<16xi32>,
        tpu.vector_store %arg7[%swap3A], %add3A_226 {strides = array<i32>} : memref<2048xi32, #tpu.memory_space<vmem>>, vector<16xi32>,
        %reduce_max3A = arith.constant true
        %reduce_max3A_230 = vector.broadcast %reduce_max3A : i1 to vector<16xi1>
        %reduce_max3A_231 = arith.constant -2147483648 : i32
        %reduce_max3A_232 = vector.broadcast %reduce_max3A_231 : i32 to vector<16xi32>
        %reduce_max3A_233 = arith.xori %add3A_208, %reduce_max3A_232 : vector<16xi32>
        %reduce_max3A_234 = tpu.scan <max>, %reduce_max3A_233 masked %reduce_max3A_230 : vector<16xi32>, vector<16xi1> -> vector<16xi32>
        %reduce_max3A_235 = arith.xori %reduce_max3A_234, %reduce_max3A_232 : vector<16xi32>
        %reduce_max3A_236 = vector.extract %reduce_max3A_235[15] : i32 from vector<16xi32>
        scf.yield %reduce_max3A_236 : i32
      }
      %scan3A_183 = arith.constant 128 : i32
      %mul3A_184 = arith.constant 2048 : i32
      %mul3A_185 = arith.muli %add3A_175, %mul3A_184 : i32
      "tpu.region"() ({
        %run_scoped3A = tpu.sem_alloc : memref<!tpu.dma_semaphore, #tpu.memory_space<semaphore_mem>>
        %dma_start3A_186 = tpu.memref_slice %arg4[%mul3A_185] : memref<8192xi32, #tpu.memory_space<hbm>> -> memref<2048xi32, #tpu.memory_space<hbm>>
        %dma_start3A_187 = tpu.memref_slice %arg4[%mul3A_185] : memref<8192xi32, #tpu.memory_space<hbm>> -> memref<2048xi32, #tpu.memory_space<hbm>>
        tpu.enqueue_dma source(%arg7 : memref<2048xi32, #tpu.memory_space<vmem>>) target(%dma_start3A_187 : memref<2048xi32, #tpu.memory_space<hbm>>) target_semaphore(%run_scoped3A : memref<!tpu.dma_semaphore, #tpu.memory_space<semaphore_mem>>)
        %dma_wait3A_188 = tpu.memref_slice %arg4[%mul3A_185] : memref<8192xi32, #tpu.memory_space<hbm>> -> memref<2048xi32, #tpu.memory_space<hbm>>
        %dma_wait3A_189 = tpu.memref_slice %arg4[%mul3A_185] : memref<8192xi32, #tpu.memory_space<hbm>> -> memref<2048xi32, #tpu.memory_space<hbm>>
        tpu.wait_dma2 semaphore(%run_scoped3A : memref<!tpu.dma_semaphore, #tpu.memory_space<semaphore_mem>>) src(%arg7 : memref<2048xi32, #tpu.memory_space<vmem>>) dst(%dma_wait3A_189 : memref<2048xi32, #tpu.memory_space<hbm>>)
        tpu.yield
      }) : () -> ()
    } else {
    }
    %barrier3A = arith.constant 0 : index
    tpu.barrier barrier_id(%barrier3A)
    %lt3A_2 = arith.constant 8 : i32
    %lt3A_3 = arith.cmpi slt, %arg1, %lt3A_2 : i32
    %mul3A = arith.constant 2048 : i32
    %mul3A_4 = arith.muli %arg0, %mul3A : i32
    %mul3A_5 = arith.constant 256 : i32
    %mul3A_6 = arith.muli %arg1, %mul3A_5 : i32
    %add3A = arith.addi %mul3A_4, %mul3A_6 : i32
    %add3A_7 = arith.constant 2 : i32
    %add3A_8 = arith.addi %arg0, %add3A_7 : i32
    %mul3A_9 = arith.constant 2048 : i32
    %mul3A_10 = arith.muli %add3A_8, %mul3A_9 : i32
    %sub3A = arith.constant 8 : i32
    %sub3A_11 = arith.subi %arg1, %sub3A : i32
    %mul3A_12 = arith.constant 256 : i32
    %mul3A_13 = arith.muli %sub3A_11, %mul3A_12 : i32
    %add3A_14 = arith.addi %mul3A_10, %mul3A_13 : i32
    %select_n3A = arith.select %lt3A_3, %add3A, %add3A_14 : i32
    "tpu.region"() ({
      %run_scoped3A = tpu.sem_alloc : memref<!tpu.dma_semaphore, #tpu.memory_space<semaphore_mem>>
      %dma_start3A_173 = tpu.memref_slice %arg4[%select_n3A] : memref<8192xi32, #tpu.memory_space<hbm>> -> memref<256xi32, #tpu.memory_space<hbm>>
      %dma_start3A_174 = tpu.memref_slice %arg4[%select_n3A] : memref<8192xi32, #tpu.memory_space<hbm>> -> memref<256xi32, #tpu.memory_space<hbm>>
      tpu.enqueue_dma source(%dma_start3A_174 : memref<256xi32, #tpu.memory_space<hbm>>) target(%arg8 : memref<256xi32, #tpu.memory_space<vmem>>) target_semaphore(%run_scoped3A : memref<!tpu.dma_semaphore, #tpu.memory_space<semaphore_mem>>)
      %dma_wait3A_175 = tpu.memref_slice %arg4[%select_n3A] : memref<8192xi32, #tpu.memory_space<hbm>> -> memref<256xi32, #tpu.memory_space<hbm>>
      %dma_wait3A_176 = tpu.memref_slice %arg4[%select_n3A] : memref<8192xi32, #tpu.memory_space<hbm>> -> memref<256xi32, #tpu.memory_space<hbm>>
      tpu.wait_dma2 semaphore(%run_scoped3A : memref<!tpu.dma_semaphore, #tpu.memory_space<semaphore_mem>>) src(%dma_wait3A_176 : memref<256xi32, #tpu.memory_space<hbm>>) dst(%arg8 : memref<256xi32, #tpu.memory_space<vmem>>)
      tpu.yield
    }) : () -> ()
    %dma_start3A = arith.constant 0 : i32
    %dma_start3A_15 = tpu.memref_slice %arg8[%dma_start3A] : memref<256xi32, #tpu.memory_space<vmem>> -> memref<32xi32, #tpu.memory_space<vmem>>
    %dma_start3A_16 = arith.constant 0 : i32
    %dma_start3A_17 = arith.constant 0 : i32
    %dma_start3A_18 = tpu.memref_slice %arg3[%dma_start3A_16, %dma_start3A_17] : memref<8192x1024xf32, #tpu.memory_space<hbm>> -> memref<8192x1024xf32, #tpu.memory_space<hbm>>
    tpu.enqueue_indirect_dma source(%dma_start3A_18 : memref<8192x1024xf32, #tpu.memory_space<hbm>>) target(%arg9 : memref<32x1024xf32, #tpu.memory_space<vmem>>) offsets(%dma_start3A_15 : memref<32xi32, #tpu.memory_space<vmem>>) semaphore(%arg11 : memref<!tpu.dma_semaphore, #tpu.memory_space<semaphore_mem>>)
    %dma_start3A_19 = arith.constant 32 : i32
    %dma_start3A_20 = tpu.memref_slice %arg8[%dma_start3A_19] : memref<256xi32, #tpu.memory_space<vmem>> -> memref<32xi32, #tpu.memory_space<vmem>>
    %dma_start3A_21 = arith.constant 0 : i32
    %dma_start3A_22 = arith.constant 0 : i32
    %dma_start3A_23 = tpu.memref_slice %arg3[%dma_start3A_21, %dma_start3A_22] : memref<8192x1024xf32, #tpu.memory_space<hbm>> -> memref<8192x1024xf32, #tpu.memory_space<hbm>>
    tpu.enqueue_indirect_dma source(%dma_start3A_23 : memref<8192x1024xf32, #tpu.memory_space<hbm>>) target(%arg10 : memref<32x1024xf32, #tpu.memory_space<vmem>>) offsets(%dma_start3A_20 : memref<32xi32, #tpu.memory_space<vmem>>) semaphore(%arg12 : memref<!tpu.dma_semaphore, #tpu.memory_space<semaphore_mem>>)
    %dma_wait3A = arith.constant 0 : i32
    %dma_wait3A_24 = tpu.memref_slice %arg8[%dma_wait3A] : memref<256xi32, #tpu.memory_space<vmem>> -> memref<32xi32, #tpu.memory_space<vmem>>
    %dma_wait3A_25 = arith.constant 0 : i32
    %dma_wait3A_26 = arith.constant 0 : i32
    %dma_wait3A_27 = tpu.memref_slice %arg3[%dma_wait3A_25, %dma_wait3A_26] : memref<8192x1024xf32, #tpu.memory_space<hbm>> -> memref<8192x1024xf32, #tpu.memory_space<hbm>>
    tpu.wait_indirect_dma semaphore(%arg11 : memref<!tpu.dma_semaphore, #tpu.memory_space<semaphore_mem>>) src(%dma_wait3A_27 : memref<8192x1024xf32, #tpu.memory_space<hbm>>) dst(%arg9 : memref<32x1024xf32, #tpu.memory_space<vmem>>)
    %add3A_28 = arith.constant 0 : i32
    %add3A_29 = arith.addi %select_n3A, %add3A_28 : i32
    %dma_start3A_30 = arith.constant 0 : i32
    %dma_start3A_31 = tpu.memref_slice %arg5[%add3A_29, %dma_start3A_30] : memref<8192x1024xf32, #tpu.memory_space<hbm>> -> memref<32x1024xf32, #tpu.memory_space<hbm>>
    %dma_start3A_32 = arith.constant 0 : i32
    %dma_start3A_33 = tpu.memref_slice %arg5[%add3A_29, %dma_start3A_32] : memref<8192x1024xf32, #tpu.memory_space<hbm>> -> memref<32x1024xf32, #tpu.memory_space<hbm>>
    tpu.enqueue_dma source(%arg9 : memref<32x1024xf32, #tpu.memory_space<vmem>>) target(%dma_start3A_33 : memref<32x1024xf32, #tpu.memory_space<hbm>>) target_semaphore(%arg13 : memref<!tpu.dma_semaphore, #tpu.memory_space<semaphore_mem>>)
    %dma_wait3A_34 = arith.constant 0 : i32
    %dma_wait3A_35 = tpu.memref_slice %arg5[%add3A_29, %dma_wait3A_34] : memref<8192x1024xf32, #tpu.memory_space<hbm>> -> memref<32x1024xf32, #tpu.memory_space<hbm>>
    %dma_wait3A_36 = arith.constant 0 : i32
    %dma_wait3A_37 = tpu.memref_slice %arg5[%add3A_29, %dma_wait3A_36] : memref<8192x1024xf32, #tpu.memory_space<hbm>> -> memref<32x1024xf32, #tpu.memory_space<hbm>>
    tpu.wait_dma2 semaphore(%arg13 : memref<!tpu.dma_semaphore, #tpu.memory_space<semaphore_mem>>) src(%arg9 : memref<32x1024xf32, #tpu.memory_space<vmem>>) dst(%dma_wait3A_37 : memref<32x1024xf32, #tpu.memory_space<hbm>>)
    %dma_start3A_38 = arith.constant 64 : i32
    %dma_start3A_39 = tpu.memref_slice %arg8[%dma_start3A_38] : memref<256xi32, #tpu.memory_space<vmem>> -> memref<32xi32, #tpu.memory_space<vmem>>
    %dma_start3A_40 = arith.constant 0 : i32
    %dma_start3A_41 = arith.constant 0 : i32
    %dma_start3A_42 = tpu.memref_slice %arg3[%dma_start3A_40, %dma_start3A_41] : memref<8192x1024xf32, #tpu.memory_space<hbm>> -> memref<8192x1024xf32, #tpu.memory_space<hbm>>
    tpu.enqueue_indirect_dma source(%dma_start3A_42 : memref<8192x1024xf32, #tpu.memory_space<hbm>>) target(%arg9 : memref<32x1024xf32, #tpu.memory_space<vmem>>) offsets(%dma_start3A_39 : memref<32xi32, #tpu.memory_space<vmem>>) semaphore(%arg11 : memref<!tpu.dma_semaphore, #tpu.memory_space<semaphore_mem>>)
    %dma_wait3A_43 = arith.constant 32 : i32
    %dma_wait3A_44 = tpu.memref_slice %arg8[%dma_wait3A_43] : memref<256xi32, #tpu.memory_space<vmem>> -> memref<32xi32, #tpu.memory_space<vmem>>
    %dma_wait3A_45 = arith.constant 0 : i32
    %dma_wait3A_46 = arith.constant 0 : i32
    %dma_wait3A_47 = tpu.memref_slice %arg3[%dma_wait3A_45, %dma_wait3A_46] : memref<8192x1024xf32, #tpu.memory_space<hbm>> -> memref<8192x1024xf32, #tpu.memory_space<hbm>>
    tpu.wait_indirect_dma semaphore(%arg12 : memref<!tpu.dma_semaphore, #tpu.memory_space<semaphore_mem>>) src(%dma_wait3A_47 : memref<8192x1024xf32, #tpu.memory_space<hbm>>) dst(%arg10 : memref<32x1024xf32, #tpu.memory_space<vmem>>)
    %add3A_48 = arith.constant 32 : i32
    %add3A_49 = arith.addi %select_n3A, %add3A_48 : i32
    %dma_start3A_50 = arith.constant 0 : i32
    %dma_start3A_51 = tpu.memref_slice %arg5[%add3A_49, %dma_start3A_50] : memref<8192x1024xf32, #tpu.memory_space<hbm>> -> memref<32x1024xf32, #tpu.memory_space<hbm>>
    %dma_start3A_52 = arith.constant 0 : i32
    %dma_start3A_53 = tpu.memref_slice %arg5[%add3A_49, %dma_start3A_52] : memref<8192x1024xf32, #tpu.memory_space<hbm>> -> memref<32x1024xf32, #tpu.memory_space<hbm>>
    tpu.enqueue_dma source(%arg10 : memref<32x1024xf32, #tpu.memory_space<vmem>>) target(%dma_start3A_53 : memref<32x1024xf32, #tpu.memory_space<hbm>>) target_semaphore(%arg14 : memref<!tpu.dma_semaphore, #tpu.memory_space<semaphore_mem>>)
    %dma_wait3A_54 = arith.constant 0 : i32
    %dma_wait3A_55 = tpu.memref_slice %arg5[%add3A_49, %dma_wait3A_54] : memref<8192x1024xf32, #tpu.memory_space<hbm>> -> memref<32x1024xf32, #tpu.memory_space<hbm>>
    %dma_wait3A_56 = arith.constant 0 : i32
    %dma_wait3A_57 = tpu.memref_slice %arg5[%add3A_49, %dma_wait3A_56] : memref<8192x1024xf32, #tpu.memory_space<hbm>> -> memref<32x1024xf32, #tpu.memory_space<hbm>>
    tpu.wait_dma2 semaphore(%arg14 : memref<!tpu.dma_semaphore, #tpu.memory_space<semaphore_mem>>) src(%arg10 : memref<32x1024xf32, #tpu.memory_space<vmem>>) dst(%dma_wait3A_57 : memref<32x1024xf32, #tpu.memory_space<hbm>>)
    %dma_start3A_58 = arith.constant 96 : i32
    %dma_start3A_59 = tpu.memref_slice %arg8[%dma_start3A_58] : memref<256xi32, #tpu.memory_space<vmem>> -> memref<32xi32, #tpu.memory_space<vmem>>
    %dma_start3A_60 = arith.constant 0 : i32
    %dma_start3A_61 = arith.constant 0 : i32
    %dma_start3A_62 = tpu.memref_slice %arg3[%dma_start3A_60, %dma_start3A_61] : memref<8192x1024xf32, #tpu.memory_space<hbm>> -> memref<8192x1024xf32, #tpu.memory_space<hbm>>
    tpu.enqueue_indirect_dma source(%dma_start3A_62 : memref<8192x1024xf32, #tpu.memory_space<hbm>>) target(%arg10 : memref<32x1024xf32, #tpu.memory_space<vmem>>) offsets(%dma_start3A_59 : memref<32xi32, #tpu.memory_space<vmem>>) semaphore(%arg12 : memref<!tpu.dma_semaphore, #tpu.memory_space<semaphore_mem>>)
    %dma_wait3A_63 = arith.constant 64 : i32
    %dma_wait3A_64 = tpu.memref_slice %arg8[%dma_wait3A_63] : memref<256xi32, #tpu.memory_space<vmem>> -> memref<32xi32, #tpu.memory_space<vmem>>
    %dma_wait3A_65 = arith.constant 0 : i32
    %dma_wait3A_66 = arith.constant 0 : i32
    %dma_wait3A_67 = tpu.memref_slice %arg3[%dma_wait3A_65, %dma_wait3A_66] : memref<8192x1024xf32, #tpu.memory_space<hbm>> -> memref<8192x1024xf32, #tpu.memory_space<hbm>>
    tpu.wait_indirect_dma semaphore(%arg11 : memref<!tpu.dma_semaphore, #tpu.memory_space<semaphore_mem>>) src(%dma_wait3A_67 : memref<8192x1024xf32, #tpu.memory_space<hbm>>) dst(%arg9 : memref<32x1024xf32, #tpu.memory_space<vmem>>)
    %add3A_68 = arith.constant 64 : i32
    %add3A_69 = arith.addi %select_n3A, %add3A_68 : i32
    %dma_start3A_70 = arith.constant 0 : i32
    %dma_start3A_71 = tpu.memref_slice %arg5[%add3A_69, %dma_start3A_70] : memref<8192x1024xf32, #tpu.memory_space<hbm>> -> memref<32x1024xf32, #tpu.memory_space<hbm>>
    %dma_start3A_72 = arith.constant 0 : i32
    %dma_start3A_73 = tpu.memref_slice %arg5[%add3A_69, %dma_start3A_72] : memref<8192x1024xf32, #tpu.memory_space<hbm>> -> memref<32x1024xf32, #tpu.memory_space<hbm>>
    tpu.enqueue_dma source(%arg9 : memref<32x1024xf32, #tpu.memory_space<vmem>>) target(%dma_start3A_73 : memref<32x1024xf32, #tpu.memory_space<hbm>>) target_semaphore(%arg13 : memref<!tpu.dma_semaphore, #tpu.memory_space<semaphore_mem>>)
    %dma_wait3A_74 = arith.constant 0 : i32
    %dma_wait3A_75 = tpu.memref_slice %arg5[%add3A_69, %dma_wait3A_74] : memref<8192x1024xf32, #tpu.memory_space<hbm>> -> memref<32x1024xf32, #tpu.memory_space<hbm>>
    %dma_wait3A_76 = arith.constant 0 : i32
    %dma_wait3A_77 = tpu.memref_slice %arg5[%add3A_69, %dma_wait3A_76] : memref<8192x1024xf32, #tpu.memory_space<hbm>> -> memref<32x1024xf32, #tpu.memory_space<hbm>>
    tpu.wait_dma2 semaphore(%arg13 : memref<!tpu.dma_semaphore, #tpu.memory_space<semaphore_mem>>) src(%arg9 : memref<32x1024xf32, #tpu.memory_space<vmem>>) dst(%dma_wait3A_77 : memref<32x1024xf32, #tpu.memory_space<hbm>>)
    %dma_start3A_78 = arith.constant 128 : i32
    %dma_start3A_79 = tpu.memref_slice %arg8[%dma_start3A_78] : memref<256xi32, #tpu.memory_space<vmem>> -> memref<32xi32, #tpu.memory_space<vmem>>
    %dma_start3A_80 = arith.constant 0 : i32
    %dma_start3A_81 = arith.constant 0 : i32
    %dma_start3A_82 = tpu.memref_slice %arg3[%dma_start3A_80, %dma_start3A_81] : memref<8192x1024xf32, #tpu.memory_space<hbm>> -> memref<8192x1024xf32, #tpu.memory_space<hbm>>
    tpu.enqueue_indirect_dma source(%dma_start3A_82 : memref<8192x1024xf32, #tpu.memory_space<hbm>>) target(%arg9 : memref<32x1024xf32, #tpu.memory_space<vmem>>) offsets(%dma_start3A_79 : memref<32xi32, #tpu.memory_space<vmem>>) semaphore(%arg11 : memref<!tpu.dma_semaphore, #tpu.memory_space<semaphore_mem>>)
    %dma_wait3A_83 = arith.constant 96 : i32
    %dma_wait3A_84 = tpu.memref_slice %arg8[%dma_wait3A_83] : memref<256xi32, #tpu.memory_space<vmem>> -> memref<32xi32, #tpu.memory_space<vmem>>
    %dma_wait3A_85 = arith.constant 0 : i32
    %dma_wait3A_86 = arith.constant 0 : i32
    %dma_wait3A_87 = tpu.memref_slice %arg3[%dma_wait3A_85, %dma_wait3A_86] : memref<8192x1024xf32, #tpu.memory_space<hbm>> -> memref<8192x1024xf32, #tpu.memory_space<hbm>>
    tpu.wait_indirect_dma semaphore(%arg12 : memref<!tpu.dma_semaphore, #tpu.memory_space<semaphore_mem>>) src(%dma_wait3A_87 : memref<8192x1024xf32, #tpu.memory_space<hbm>>) dst(%arg10 : memref<32x1024xf32, #tpu.memory_space<vmem>>)
    %add3A_88 = arith.constant 96 : i32
    %add3A_89 = arith.addi %select_n3A, %add3A_88 : i32
    %dma_start3A_90 = arith.constant 0 : i32
    %dma_start3A_91 = tpu.memref_slice %arg5[%add3A_89, %dma_start3A_90] : memref<8192x1024xf32, #tpu.memory_space<hbm>> -> memref<32x1024xf32, #tpu.memory_space<hbm>>
    %dma_start3A_92 = arith.constant 0 : i32
    %dma_start3A_93 = tpu.memref_slice %arg5[%add3A_89, %dma_start3A_92] : memref<8192x1024xf32, #tpu.memory_space<hbm>> -> memref<32x1024xf32, #tpu.memory_space<hbm>>
    tpu.enqueue_dma source(%arg10 : memref<32x1024xf32, #tpu.memory_space<vmem>>) target(%dma_start3A_93 : memref<32x1024xf32, #tpu.memory_space<hbm>>) target_semaphore(%arg14 : memref<!tpu.dma_semaphore, #tpu.memory_space<semaphore_mem>>)
    %dma_wait3A_94 = arith.constant 0 : i32
    %dma_wait3A_95 = tpu.memref_slice %arg5[%add3A_89, %dma_wait3A_94] : memref<8192x1024xf32, #tpu.memory_space<hbm>> -> memref<32x1024xf32, #tpu.memory_space<hbm>>
    %dma_wait3A_96 = arith.constant 0 : i32
    %dma_wait3A_97 = tpu.memref_slice %arg5[%add3A_89, %dma_wait3A_96] : memref<8192x1024xf32, #tpu.memory_space<hbm>> -> memref<32x1024xf32, #tpu.memory_space<hbm>>
    tpu.wait_dma2 semaphore(%arg14 : memref<!tpu.dma_semaphore, #tpu.memory_space<semaphore_mem>>) src(%arg10 : memref<32x1024xf32, #tpu.memory_space<vmem>>) dst(%dma_wait3A_97 : memref<32x1024xf32, #tpu.memory_space<hbm>>)
    %dma_start3A_98 = arith.constant 160 : i32
    %dma_start3A_99 = tpu.memref_slice %arg8[%dma_start3A_98] : memref<256xi32, #tpu.memory_space<vmem>> -> memref<32xi32, #tpu.memory_space<vmem>>
    %dma_start3A_100 = arith.constant 0 : i32
    %dma_start3A_101 = arith.constant 0 : i32
    %dma_start3A_102 = tpu.memref_slice %arg3[%dma_start3A_100, %dma_start3A_101] : memref<8192x1024xf32, #tpu.memory_space<hbm>> -> memref<8192x1024xf32, #tpu.memory_space<hbm>>
    tpu.enqueue_indirect_dma source(%dma_start3A_102 : memref<8192x1024xf32, #tpu.memory_space<hbm>>) target(%arg10 : memref<32x1024xf32, #tpu.memory_space<vmem>>) offsets(%dma_start3A_99 : memref<32xi32, #tpu.memory_space<vmem>>) semaphore(%arg12 : memref<!tpu.dma_semaphore, #tpu.memory_space<semaphore_mem>>)
    %dma_wait3A_103 = arith.constant 128 : i32
    %dma_wait3A_104 = tpu.memref_slice %arg8[%dma_wait3A_103] : memref<256xi32, #tpu.memory_space<vmem>> -> memref<32xi32, #tpu.memory_space<vmem>>
    %dma_wait3A_105 = arith.constant 0 : i32
    %dma_wait3A_106 = arith.constant 0 : i32
    %dma_wait3A_107 = tpu.memref_slice %arg3[%dma_wait3A_105, %dma_wait3A_106] : memref<8192x1024xf32, #tpu.memory_space<hbm>> -> memref<8192x1024xf32, #tpu.memory_space<hbm>>
    tpu.wait_indirect_dma semaphore(%arg11 : memref<!tpu.dma_semaphore, #tpu.memory_space<semaphore_mem>>) src(%dma_wait3A_107 : memref<8192x1024xf32, #tpu.memory_space<hbm>>) dst(%arg9 : memref<32x1024xf32, #tpu.memory_space<vmem>>)
    %add3A_108 = arith.constant 128 : i32
    %add3A_109 = arith.addi %select_n3A, %add3A_108 : i32
    %dma_start3A_110 = arith.constant 0 : i32
    %dma_start3A_111 = tpu.memref_slice %arg5[%add3A_109, %dma_start3A_110] : memref<8192x1024xf32, #tpu.memory_space<hbm>> -> memref<32x1024xf32, #tpu.memory_space<hbm>>
    %dma_start3A_112 = arith.constant 0 : i32
    %dma_start3A_113 = tpu.memref_slice %arg5[%add3A_109, %dma_start3A_112] : memref<8192x1024xf32, #tpu.memory_space<hbm>> -> memref<32x1024xf32, #tpu.memory_space<hbm>>
    tpu.enqueue_dma source(%arg9 : memref<32x1024xf32, #tpu.memory_space<vmem>>) target(%dma_start3A_113 : memref<32x1024xf32, #tpu.memory_space<hbm>>) target_semaphore(%arg13 : memref<!tpu.dma_semaphore, #tpu.memory_space<semaphore_mem>>)
    %dma_wait3A_114 = arith.constant 0 : i32
    %dma_wait3A_115 = tpu.memref_slice %arg5[%add3A_109, %dma_wait3A_114] : memref<8192x1024xf32, #tpu.memory_space<hbm>> -> memref<32x1024xf32, #tpu.memory_space<hbm>>
    %dma_wait3A_116 = arith.constant 0 : i32
    %dma_wait3A_117 = tpu.memref_slice %arg5[%add3A_109, %dma_wait3A_116] : memref<8192x1024xf32, #tpu.memory_space<hbm>> -> memref<32x1024xf32, #tpu.memory_space<hbm>>
    tpu.wait_dma2 semaphore(%arg13 : memref<!tpu.dma_semaphore, #tpu.memory_space<semaphore_mem>>) src(%arg9 : memref<32x1024xf32, #tpu.memory_space<vmem>>) dst(%dma_wait3A_117 : memref<32x1024xf32, #tpu.memory_space<hbm>>)
    %dma_start3A_118 = arith.constant 192 : i32
    %dma_start3A_119 = tpu.memref_slice %arg8[%dma_start3A_118] : memref<256xi32, #tpu.memory_space<vmem>> -> memref<32xi32, #tpu.memory_space<vmem>>
    %dma_start3A_120 = arith.constant 0 : i32
    %dma_start3A_121 = arith.constant 0 : i32
    %dma_start3A_122 = tpu.memref_slice %arg3[%dma_start3A_120, %dma_start3A_121] : memref<8192x1024xf32, #tpu.memory_space<hbm>> -> memref<8192x1024xf32, #tpu.memory_space<hbm>>
    tpu.enqueue_indirect_dma source(%dma_start3A_122 : memref<8192x1024xf32, #tpu.memory_space<hbm>>) target(%arg9 : memref<32x1024xf32, #tpu.memory_space<vmem>>) offsets(%dma_start3A_119 : memref<32xi32, #tpu.memory_space<vmem>>) semaphore(%arg11 : memref<!tpu.dma_semaphore, #tpu.memory_space<semaphore_mem>>)
    %dma_wait3A_123 = arith.constant 160 : i32
    %dma_wait3A_124 = tpu.memref_slice %arg8[%dma_wait3A_123] : memref<256xi32, #tpu.memory_space<vmem>> -> memref<32xi32, #tpu.memory_space<vmem>>
    %dma_wait3A_125 = arith.constant 0 : i32
    %dma_wait3A_126 = arith.constant 0 : i32
    %dma_wait3A_127 = tpu.memref_slice %arg3[%dma_wait3A_125, %dma_wait3A_126] : memref<8192x1024xf32, #tpu.memory_space<hbm>> -> memref<8192x1024xf32, #tpu.memory_space<hbm>>
    tpu.wait_indirect_dma semaphore(%arg12 : memref<!tpu.dma_semaphore, #tpu.memory_space<semaphore_mem>>) src(%dma_wait3A_127 : memref<8192x1024xf32, #tpu.memory_space<hbm>>) dst(%arg10 : memref<32x1024xf32, #tpu.memory_space<vmem>>)
    %add3A_128 = arith.constant 160 : i32
    %add3A_129 = arith.addi %select_n3A, %add3A_128 : i32
    %dma_start3A_130 = arith.constant 0 : i32
    %dma_start3A_131 = tpu.memref_slice %arg5[%add3A_129, %dma_start3A_130] : memref<8192x1024xf32, #tpu.memory_space<hbm>> -> memref<32x1024xf32, #tpu.memory_space<hbm>>
    %dma_start3A_132 = arith.constant 0 : i32
    %dma_start3A_133 = tpu.memref_slice %arg5[%add3A_129, %dma_start3A_132] : memref<8192x1024xf32, #tpu.memory_space<hbm>> -> memref<32x1024xf32, #tpu.memory_space<hbm>>
    tpu.enqueue_dma source(%arg10 : memref<32x1024xf32, #tpu.memory_space<vmem>>) target(%dma_start3A_133 : memref<32x1024xf32, #tpu.memory_space<hbm>>) target_semaphore(%arg14 : memref<!tpu.dma_semaphore, #tpu.memory_space<semaphore_mem>>)
    %dma_wait3A_134 = arith.constant 0 : i32
    %dma_wait3A_135 = tpu.memref_slice %arg5[%add3A_129, %dma_wait3A_134] : memref<8192x1024xf32, #tpu.memory_space<hbm>> -> memref<32x1024xf32, #tpu.memory_space<hbm>>
    %dma_wait3A_136 = arith.constant 0 : i32
    %dma_wait3A_137 = tpu.memref_slice %arg5[%add3A_129, %dma_wait3A_136] : memref<8192x1024xf32, #tpu.memory_space<hbm>> -> memref<32x1024xf32, #tpu.memory_space<hbm>>
    tpu.wait_dma2 semaphore(%arg14 : memref<!tpu.dma_semaphore, #tpu.memory_space<semaphore_mem>>) src(%arg10 : memref<32x1024xf32, #tpu.memory_space<vmem>>) dst(%dma_wait3A_137 : memref<32x1024xf32, #tpu.memory_space<hbm>>)
    %dma_start3A_138 = arith.constant 224 : i32
    %dma_start3A_139 = tpu.memref_slice %arg8[%dma_start3A_138] : memref<256xi32, #tpu.memory_space<vmem>> -> memref<32xi32, #tpu.memory_space<vmem>>
    %dma_start3A_140 = arith.constant 0 : i32
    %dma_start3A_141 = arith.constant 0 : i32
    %dma_start3A_142 = tpu.memref_slice %arg3[%dma_start3A_140, %dma_start3A_141] : memref<8192x1024xf32, #tpu.memory_space<hbm>> -> memref<8192x1024xf32, #tpu.memory_space<hbm>>
    tpu.enqueue_indirect_dma source(%dma_start3A_142 : memref<8192x1024xf32, #tpu.memory_space<hbm>>) target(%arg10 : memref<32x1024xf32, #tpu.memory_space<vmem>>) offsets(%dma_start3A_139 : memref<32xi32, #tpu.memory_space<vmem>>) semaphore(%arg12 : memref<!tpu.dma_semaphore, #tpu.memory_space<semaphore_mem>>)
    %dma_wait3A_143 = arith.constant 192 : i32
    %dma_wait3A_144 = tpu.memref_slice %arg8[%dma_wait3A_143] : memref<256xi32, #tpu.memory_space<vmem>> -> memref<32xi32, #tpu.memory_space<vmem>>
    %dma_wait3A_145 = arith.constant 0 : i32
    %dma_wait3A_146 = arith.constant 0 : i32
    %dma_wait3A_147 = tpu.memref_slice %arg3[%dma_wait3A_145, %dma_wait3A_146] : memref<8192x1024xf32, #tpu.memory_space<hbm>> -> memref<8192x1024xf32, #tpu.memory_space<hbm>>
    tpu.wait_indirect_dma semaphore(%arg11 : memref<!tpu.dma_semaphore, #tpu.memory_space<semaphore_mem>>) src(%dma_wait3A_147 : memref<8192x1024xf32, #tpu.memory_space<hbm>>) dst(%arg9 : memref<32x1024xf32, #tpu.memory_space<vmem>>)
    %add3A_148 = arith.constant 192 : i32
    %add3A_149 = arith.addi %select_n3A, %add3A_148 : i32
    %dma_start3A_150 = arith.constant 0 : i32
    %dma_start3A_151 = tpu.memref_slice %arg5[%add3A_149, %dma_start3A_150] : memref<8192x1024xf32, #tpu.memory_space<hbm>> -> memref<32x1024xf32, #tpu.memory_space<hbm>>
    %dma_start3A_152 = arith.constant 0 : i32
    %dma_start3A_153 = tpu.memref_slice %arg5[%add3A_149, %dma_start3A_152] : memref<8192x1024xf32, #tpu.memory_space<hbm>> -> memref<32x1024xf32, #tpu.memory_space<hbm>>
    tpu.enqueue_dma source(%arg9 : memref<32x1024xf32, #tpu.memory_space<vmem>>) target(%dma_start3A_153 : memref<32x1024xf32, #tpu.memory_space<hbm>>) target_semaphore(%arg13 : memref<!tpu.dma_semaphore, #tpu.memory_space<semaphore_mem>>)
    %dma_wait3A_154 = arith.constant 224 : i32
    %dma_wait3A_155 = tpu.memref_slice %arg8[%dma_wait3A_154] : memref<256xi32, #tpu.memory_space<vmem>> -> memref<32xi32, #tpu.memory_space<vmem>>
    %dma_wait3A_156 = arith.constant 0 : i32
    %dma_wait3A_157 = arith.constant 0 : i32
    %dma_wait3A_158 = tpu.memref_slice %arg3[%dma_wait3A_156, %dma_wait3A_157] : memref<8192x1024xf32, #tpu.memory_space<hbm>> -> memref<8192x1024xf32, #tpu.memory_space<hbm>>
    tpu.wait_indirect_dma semaphore(%arg12 : memref<!tpu.dma_semaphore, #tpu.memory_space<semaphore_mem>>) src(%dma_wait3A_158 : memref<8192x1024xf32, #tpu.memory_space<hbm>>) dst(%arg10 : memref<32x1024xf32, #tpu.memory_space<vmem>>)
    %add3A_159 = arith.constant 224 : i32
    %add3A_160 = arith.addi %select_n3A, %add3A_159 : i32
    %dma_start3A_161 = arith.constant 0 : i32
    %dma_start3A_162 = tpu.memref_slice %arg5[%add3A_160, %dma_start3A_161] : memref<8192x1024xf32, #tpu.memory_space<hbm>> -> memref<32x1024xf32, #tpu.memory_space<hbm>>
    %dma_start3A_163 = arith.constant 0 : i32
    %dma_start3A_164 = tpu.memref_slice %arg5[%add3A_160, %dma_start3A_163] : memref<8192x1024xf32, #tpu.memory_space<hbm>> -> memref<32x1024xf32, #tpu.memory_space<hbm>>
    tpu.enqueue_dma source(%arg10 : memref<32x1024xf32, #tpu.memory_space<vmem>>) target(%dma_start3A_164 : memref<32x1024xf32, #tpu.memory_space<hbm>>) target_semaphore(%arg14 : memref<!tpu.dma_semaphore, #tpu.memory_space<semaphore_mem>>)
    %dma_wait3A_165 = arith.constant 0 : i32
    %dma_wait3A_166 = tpu.memref_slice %arg5[%add3A_149, %dma_wait3A_165] : memref<8192x1024xf32, #tpu.memory_space<hbm>> -> memref<32x1024xf32, #tpu.memory_space<hbm>>
    %dma_wait3A_167 = arith.constant 0 : i32
    %dma_wait3A_168 = tpu.memref_slice %arg5[%add3A_149, %dma_wait3A_167] : memref<8192x1024xf32, #tpu.memory_space<hbm>> -> memref<32x1024xf32, #tpu.memory_space<hbm>>
    tpu.wait_dma2 semaphore(%arg13 : memref<!tpu.dma_semaphore, #tpu.memory_space<semaphore_mem>>) src(%arg9 : memref<32x1024xf32, #tpu.memory_space<vmem>>) dst(%dma_wait3A_168 : memref<32x1024xf32, #tpu.memory_space<hbm>>)
    %dma_wait3A_169 = arith.constant 0 : i32
    %dma_wait3A_170 = tpu.memref_slice %arg5[%add3A_160, %dma_wait3A_169] : memref<8192x1024xf32, #tpu.memory_space<hbm>> -> memref<32x1024xf32, #tpu.memory_space<hbm>>
    %dma_wait3A_171 = arith.constant 0 : i32
    %dma_wait3A_172 = tpu.memref_slice %arg5[%add3A_160, %dma_wait3A_171] : memref<8192x1024xf32, #tpu.memory_space<hbm>> -> memref<32x1024xf32, #tpu.memory_space<hbm>>
    tpu.wait_dma2 semaphore(%arg14 : memref<!tpu.dma_semaphore, #tpu.memory_space<semaphore_mem>>) src(%arg10 : memref<32x1024xf32, #tpu.memory_space<vmem>>) dst(%dma_wait3A_172 : memref<32x1024xf32, #tpu.memory_space<hbm>>)
    return
  }
}

module attributes {stable_mosaic.version = 14 : i64} {
  func.func @_out_body(%arg0: i32, %arg1: memref<1024x1024xf32, #tpu.memory_space<vmem>>, %arg2: memref<1024x1024xf32, #tpu.memory_space<vmem>>, %arg3: memref<1024x2048xf32, #tpu.memory_space<vmem>>, %arg4: memref<1x1024xf32, #tpu.memory_space<vmem>>, %arg5: memref<1024x1024xf32, #tpu.memory_space<vmem>>) attributes {dimension_semantics = [#tpu.dimension_semantics<arbitrary>], iteration_bounds = array<i64: 8>, scalar_prefetch = 0 : i64, scratch_operands = 0 : i64, tpu.core_type = #tpu.core_type<tc>, window_params = [{transform_indices = @transform_0, window_bounds = array<i64: 1024, 1024>}, {transform_indices = @transform_1, window_bounds = array<i64: 1024, 1024>}, {pipeline_mode = #tpu.pipeline_mode<synchronous>, transform_indices = @transform_2, window_bounds = array<i64: 1024, 2048>}, {pipeline_mode = #tpu.pipeline_mode<synchronous>, transform_indices = @transform_3, window_bounds = array<i64: 1, 1024>}, {transform_indices = @transform_4, window_bounds = array<i64: 1024, 1024>}]} {
    %get3A = arith.constant 0 : index
    %get3A_0 = arith.constant 0 : index
    %get3A_1 = vector.load %arg3[%get3A, %get3A_0] : memref<1024x2048xf32, #tpu.memory_space<vmem>>, vector<1024x1024xf32>
    %get3A_2 = arith.constant 0 : index
    %get3A_3 = arith.constant 1024 : index
    %get3A_4 = vector.load %arg3[%get3A_2, %get3A_3] : memref<1024x2048xf32, #tpu.memory_space<vmem>>, vector<1024x1024xf32>
    %get3A_5 = arith.constant 0 : index
    %get3A_6 = arith.constant 0 : index
    %get3A_7 = vector.load %arg1[%get3A_5, %get3A_6] : memref<1024x1024xf32, #tpu.memory_space<vmem>>, vector<1024x1024xf32>
    %convert_element_type3A = arith.truncf %get3A_7 : vector<1024x1024xf32> to vector<1024x1024xbf16>
    %dot_general3A = arith.constant dense<0.000000e+00> : vector<1024x1024xf32>
    %dot_general3A_8 = tpu.matmul %convert_element_type3A, %get3A_1, %dot_general3A {dimension_numbers = #tpu.dot_dimension_numbers<[1], [1], [0], [0], [0, 0, 1, 0], [], []>, transpose_lhs_hint = false} : vector<1024x1024xbf16>, vector<1024x1024xf32>, vector<1024x1024xf32> -> vector<1024x1024xf32>
    %get3A_9 = arith.constant 0 : index
    %get3A_10 = arith.constant 0 : index
    %get3A_11 = vector.load %arg2[%get3A_9, %get3A_10] : memref<1024x1024xf32, #tpu.memory_space<vmem>>, vector<1024x1024xf32>
    %convert_element_type3A_12 = arith.truncf %get3A_11 : vector<1024x1024xf32> to vector<1024x1024xbf16>
    %dot_general3A_13 = arith.constant dense<0.000000e+00> : vector<1024x1024xf32>
    %dot_general3A_14 = tpu.matmul %convert_element_type3A_12, %get3A_4, %dot_general3A_13 {dimension_numbers = #tpu.dot_dimension_numbers<[1], [1], [0], [0], [0, 0, 1, 0], [], []>, transpose_lhs_hint = false} : vector<1024x1024xbf16>, vector<1024x1024xf32>, vector<1024x1024xf32> -> vector<1024x1024xf32>
    %add3A = arith.addf %dot_general3A_8, %dot_general3A_14 : vector<1024x1024xf32>
    %get3A_15 = arith.constant 0 : index
    %get3A_16 = arith.constant 0 : index
    %get3A_17 = vector.load %arg4[%get3A_15, %get3A_16] : memref<1x1024xf32, #tpu.memory_space<vmem>>, vector<1x1024xf32>
    %add3A_18 = vector.broadcast %get3A_17 : vector<1x1024xf32> to vector<1024x1024xf32>
    %add3A_19 = arith.addf %add3A, %add3A_18 : vector<1024x1024xf32>
    %tanh3A = math.tanh %add3A_19 : vector<1024x1024xf32>
    %swap3A = arith.constant 0 : index
    %swap3A_20 = arith.constant 0 : index
    %swap3A_21 = vector.load %arg5[%swap3A, %swap3A_20] : memref<1024x1024xf32, #tpu.memory_space<vmem>>, vector<1024x1024xf32>
    tpu.vector_store %arg5[%swap3A, %swap3A_20], %tanh3A {strides = array<i32>} : memref<1024x1024xf32, #tpu.memory_space<vmem>>, vector<1024x1024xf32>,
    return
  }
  func.func @transform_0(%arg0: i32) -> (i32, i32) {
    %c0_i32 = arith.constant 0 : i32
    %c0_i32_0 = arith.constant 0 : i32
    return %arg0, %c0_i32 : i32, i32
  }
  func.func @transform_1(%arg0: i32) -> (i32, i32) {
    %c0_i32 = arith.constant 0 : i32
    %c0_i32_0 = arith.constant 0 : i32
    return %arg0, %c0_i32 : i32, i32
  }
  func.func @transform_2(%arg0: i32) -> (i32, i32) {
    %c0_i32 = arith.constant 0 : i32
    %c0_i32_0 = arith.constant 0 : i32
    %c0_i32_1 = arith.constant 0 : i32
    return %c0_i32, %c0_i32_0 : i32, i32
  }
  func.func @transform_3(%arg0: i32) -> (i32, i32) {
    %c0_i32 = arith.constant 0 : i32
    %c0_i32_0 = arith.constant 0 : i32
    %c0_i32_1 = arith.constant 0 : i32
    return %c0_i32, %c0_i32_0 : i32, i32
  }
  func.func @transform_4(%arg0: i32) -> (i32, i32) {
    %c0_i32 = arith.constant 0 : i32
    %c0_i32_0 = arith.constant 0 : i32
    return %arg0, %c0_i32 : i32, i32
  }
}

</mosaic_0001>

<sc_bundles>
// kernel: kernel.5.cloned.1.call-start
scs
__scs_entry_jumppad:
0x0: {  	(pc) =	sbr.rel $0x88, $3  }
0x1: {  	(tag) =	ssettag $0x0;
	lr =	simm.s32 $0x1  }
0x2: {  	[smem:$0x3F9C] =	sst lr;
	_ =	strace $0xD0000000  }
0x3: {  	_ = 	snop  }
0x4: {  	_ = 	snop  }
0x5: {  	_ = 	snop  }
0x6: {  	_ = 	snop  }
0x7: {  	_ = 	snop  }
__scs_overlays_trampoline_lowered:
0x8: {  	[smem:$0x3FAB] =	sst s0  }
0x9: {  	[smem:$0x3FAC] =	sst s1  }
0xa: {  	[smem:$0x3FAD] =	sst s2  }
0xb: {  	[smem:$0x3FAE] =	sst s3  }
0xc: {  	[smem:$0x3FAF] =	sst s4  }
0xd: {  	[smem:$0x3FB0] =	sst s5  }
0xe: {  	[smem:$0x3FB1] =	sst s6  }
0xf: {  	[smem:$0x3FB2] =	sst s7  }
0x10: {  	[smem:$0x3FB3] =	sst s8  }
0x11: {  	[smem:$0x3FB4] =	sst s9;
	s0 =	simm.s32 @!p0 $0x0  }
0x12: {  	s1 =	sld [smem:$0x3F9A];
	s0 =	simm.s32 @p0 $0x1  }
0x13: {  	[smem:$0x3FB5] =	sst s0;
	s0 =	simm.s32 @!p1 $0x0  }
0x14: {  	s2 =	sld [smem:$0x3F99];
	s0 =	simm.s32 @p1 $0x1  }
0x15: {  	[smem:$0x3FB6] =	sst s0;
	s0 =	simm.s32 @!p2 $0x0  }
0x16: {  	s3 =	sld [smem:$0x3FDB];
	s0 =	simm.s32 @p2 $0x1  }
0x17: {  	s4 =	simm.s32 $0x1BF5;
	[smem:$0x3FB8] =	sst s0  }
0x18: {  	s0 =	sld [smem:$0x3F9B];
	_ =	swait.ge [sflag:s4], $0x0  }
0x19: {  	s7 =	sld [smem:$0x3F9C]  }
0x1a: {  	s8 =	sadd.s32 $0xFFFFE003, lr  }
0x1b: {  	s9 =	sadd.s32 $0xFFFFFEF7, lr;
	s5 =	simm.s32 $0xFFFFFFFF;
	p2 =	slt.u32 s8, $0xFFFFF086  }
0x1c: {  	p1 =	slt.u32 s9, $0xF7A;
	s5 =	simm.s32 @!p2 $0x0  }
0x1d: {  	s5 =	simm.s32 @p1 $0x1;
	p0 =	seq.s32 s7, s2  }
0x1e: {  	s7 =	smul.u32 @!p0 $0xF7A, s2;
	p2 =	seq.s32 @!p0 s5, $0x0  }
0x1f: {  	s9 =	smul.u32 $0xF7A, s1;
	s8 =	simm.s32 @!p0 $0x1BF5;
	p2 =	por !p2, p0  }
0x20: {  	[sflag:s8] =	ssyncset.s32 @!p0 $0xFFFFF086;
	s6 =	sadd.s32 @!p0 s3, s7;
	s7 =	simm.s32 @!p0 $0x108  }
0x21: {  	s3 =	sadd.s32 s3, s9;
	s6 =	sadd.s32 @!p0 $0x88, s6;
	s7 =	simm.s32 @p2 $0x1082  }
0x22: {  	[simem:s7], [sflag:s8] =	dma.local @!p0 [hbm:s6], $0xF7A  }
0x23: {  	s9 =	sor.u32 $0xD0000000, s2;
	s6 =	simm.s32 $0x108;
	_ =	swait.ge @!p0 [sflag:s8], $0x0  }
0x24: {  	s3 =	sadd.s32 $0x88, s3;
	s6 =	simm.s32 @!p1 $0x1082;
	[sflag:s4] =	ssyncset.s32 $0xFFFFF086  }
0x25: {  	[simem:s6], [sflag:s4] =	dma.local [hbm:s3], $0xF7A  }
0x26: {  	[smem:$0x3F9C] =	sst s1;
	(tag) =	ssettag s2;
	_ =	strace s9  }
0x27: {  	s1 =	sld [smem:$0x3FAC]  }
0x28: {  	s2 =	sld [smem:$0x3FAD]  }
0x29: {  	s4 =	sld [smem:$0x3FAF]  }
0x2a: {  	p0 =	seq.s32 s5, $0x0;
	s5 =	sld [smem:$0x3FB0]  }
0x2b: {  	s6 =	sld [smem:$0x3FB1]  }
0x2c: {  	s7 =	sld [smem:$0x3FB2]  }
0x2d: {  	s3 =	simm.s32 $0x108;
	s8 =	sld [smem:$0x3FB3]  }
0x2e: {  	s3 =	simm.s32 @!p0 $0x1082;
	s9 =	sld [smem:$0x3FB4]  }
0x2f: {  	lr =	sadd.s32 s0, s3;
	s0 =	sld [smem:$0x3FAB]  }
0x30: {  	s3 =	sld [smem:$0x3FAE]  }
0x31: {  	[smem:$0x3FB7] =	sst s10  }
0x32: {  	s10 =	sld [smem:$0x3FB5];
	_ =	sdelay $0x3  }
0x33: {  	p0 =	seq.s32 s10, $0x1;
	s10 =	sld [smem:$0x3FB7];
	_ =	sdelay $0x3  }
0x34: {  	[smem:$0x3FB7] =	sst s10  }
0x35: {  	s10 =	sld [smem:$0x3FB6];
	_ =	sdelay $0x3  }
0x36: {  	p1 =	seq.s32 s10, $0x1;
	s10 =	sld [smem:$0x3FB7];
	_ =	sdelay $0x3  }
0x37: {  	[smem:$0x3FB7] =	sst s10  }
0x38: {  	s10 =	sld [smem:$0x3FB8]  }
0x39: {  	_ = 	snop;
	(pc) =	sbr.ind lr, $3  }
0x3a: {  	_ = 	snop  }
0x3b: {  	_ = 	snop  }
0x3c: {  	p2 =	seq.s32 s10, $0x1;
	s10 =	sld [smem:$0x3FB7]  }
0x3d: {  	_ =	shalt  }
0x3e: {  	_ =	shalt  }
0x3f: {  	_ =	shalt  }
0x40: {  	_ =	shalt  }
0x41: {  	_ =	shalt  }
0x42: {  	_ =	shalt  }
0x43: {  	_ =	shalt  }
0x44: {  	_ =	shalt  }
0x45: {  	_ =	shalt  }
0x46: {  	_ =	shalt  }
0x47: {  	_ =	shalt  }
0x48: {  	_ =	shalt  }
0x49: {  	_ =	shalt  }
0x4a: {  	_ =	shalt  }
0x4b: {  	_ =	shalt  }
0x4c: {  	_ =	shalt  }
0x4d: {  	_ =	shalt  }
0x4e: {  	_ =	shalt  }
0x4f: {  	_ =	shalt  }
0x50: {  	_ =	shalt  }
0x51: {  	_ =	shalt  }
0x52: {  	_ =	shalt  }
0x53: {  	_ =	shalt  }
0x54: {  	_ =	shalt  }
0x55: {  	_ =	shalt  }
0x56: {  	_ =	shalt  }
0x57: {  	_ =	shalt  }
0x58: {  	_ =	shalt  }
0x59: {  	_ =	shalt  }
0x5a: {  	_ =	shalt  }
0x5b: {  	_ =	shalt  }
0x5c: {  	_ =	shalt  }
0x5d: {  	_ =	shalt  }
0x5e: {  	_ =	shalt  }
0x5f: {  	_ =	shalt  }
0x60: {  	_ =	shalt  }
0x61: {  	_ =	shalt  }
0x62: {  	_ =	shalt  }
0x63: {  	_ =	shalt  }
0x64: {  	_ =	shalt  }
0x65: {  	_ =	shalt  }
0x66: {  	_ =	shalt  }
0x67: {  	_ =	shalt  }
0x68: {  	_ =	shalt  }
0x69: {  	_ =	shalt  }
0x6a: {  	_ =	shalt  }
0x6b: {  	_ =	shalt  }
0x6c: {  	_ =	shalt  }
0x6d: {  	_ =	shalt  }
0x6e: {  	_ =	shalt  }
0x6f: {  	_ =	shalt  }
0x70: {  	_ =	shalt  }
0x71: {  	_ =	shalt  }
0x72: {  	_ =	shalt  }
0x73: {  	_ =	shalt  }
0x74: {  	_ =	shalt  }
0x75: {  	_ =	shalt  }
0x76: {  	_ =	shalt  }
0x77: {  	_ =	shalt  }
0x78: {  	_ =	shalt  }
0x79: {  	_ =	shalt  }
0x7a: {  	_ =	shalt  }
0x7b: {  	_ =	shalt  }
0x7c: {  	_ =	shalt  }
0x7d: {  	_ =	shalt  }
0x7e: {  	_ =	shalt  }
0x7f: {  	_ =	shalt  }
0x80: {  	_ =	shalt  }
0x81: {  	_ =	shalt  }
0x82: {  	_ =	shalt  }
0x83: {  	_ =	shalt  }
0x84: {  	_ =	shalt  }
0x85: {  	_ =	shalt  }
0x86: {  	_ =	shalt  }
0x87: {  	_ =	shalt  }
.Lfunc_end0:
.L_simem_size_0:
called_computation_lowered:
.L_overlay_start_0:
0x88: {  	s2 =	sld [smem:$0x3FD9]  }
0x89: {  	s3 =	sld [smem:$0x3FFE];
	_ =	sdelay $0x1  }
0x8a: {  	s1 =	srdreg.scid  }
0x8b: {  	s0 =	sand.u32 $0x1, s1  }
0x8c: {  	s14 =	sshll.u32 s0, $0xA;
	s2 =	sadd.s32 s3, s2  }
0x8d: {  	s2 =	sadd.s32 s2, s14  }
0x8e: {  	[smem:$0x3FC3] =	sst s2  }
0x8f: {  	_ = 	snop  }
0x90: {  	s2 =	sld [smem:$0x3FD0];
	_ =	sdelay $0x2  }
0x91: {  	s4 =	simm.s32 $0xA;
	s5 =	simm.s32 $0x10;
	s15 =	sld [smem:$0x3FC7]  }
0x92: {  	[smem:s5], [sflag:s4] =	dma.local [hbm:s2], $0x1  }
0x93: {  	_ =	swait.eq [sflag:s4], $0x1  }
0x94: {  	[sflag:s4] =	ssyncset.done $0x0  }
0x95: {  	[sflag:s4] =	ssyncadd.s32 $0xFFFFFFFF  }
0x96: {  	s16 =	sld [smem:$0x10];
	(tm) =	ssettm $0x1  }
0x97: {  	s17 =	sld [smem:$0x3FFB];
	_ =	sdelay $0x3  }
0x98: {  	_ =	strace s17  }
0x99: {  	s4 =	sld [smem:$0x3FFC];
	_ =	sdelay $0x3  }
0x9a: {  	_ =	strace s4  }
0x9b: {  	s4 =	sld [smem:$0x3FFD];
	_ =	sdelay $0x3  }
0x9c: {  	_ =	strace s4  }
0x9d: {  	_ =	strace $0x8FFFFFFF  }
0x9e: {  	s18 =	sld [smem:$0x3FDB];
	_ =	sdelay $0x1  }
0x9f: {  	s19 =	simm.s32 $_scs_section_size  }
0xa0: {  	s6 =	simm.s32 $_size__tile_overlayer_lowered;
	s7 =	simm.s32 $_tile_overlayer_lowered  }
0xa1: {  	s22 =	simm.s32 $0x1BFF;
	s21 =	sshll.u32 s7, $0x1;
	s4 =	sadd.s32 s19, s18  }
0xa2: {  	s8 =	simm.s32 $0x0;
	s20 =	sshll.u32 s6, $0x1;
	s6 =	sadd.s32 s21, s4  }
0xa3: {  	[timem:s8], [sflag:s22] =	dma.local [hbm:s6], s20  }
0xa4: {  	_ =	swait.ge [sflag:s22], s20  }
0xa5: {  	s5 =	ssub.s32 $0x0, s20;
	[sflag:s22] =	ssyncset.done $0x0  }
0xa6: {  	[sflag:s22] =	ssyncadd.s32 s5;
	_ =	sdelay $0x1  }
0xa7: {  	s23 =	simm.s32 $0x1B8B  }
0xa8: {  	_ =	swait.ge [sflag:s23], $0x1  }
0xa9: {  	[sflag:s23] =	ssyncset.done $0x0  }
0xaa: {  	s25 =	simm.s32 $0x1B8E;
	s24 =	sld [smem:$0x3FFE];
	[sflag:s23] =	ssyncadd.s32 $0xFFFFFFFF  }
0xab: {  	s26 =	simm.s32 $execute0_lowered;
	[smem:$0x3FD2] =	sst s25  }
0xac: {  	s6 =	sshll.u32 s26, $0x1;
	_ =	strace $0x80000046;
	[dreg:$0x1] =	wrdreg $0xFFFFFFFF  }
0xad: {  	s28 =	simm.s32 $_size_execute0_lowered;
	s4 =	sadd.s32 s4, s6;
	[dreg:$0x0] =	wrdreg $0x0  }
0xae: {  	s6 =	sshll.u32 s28, $0x1;
	[dreg:$0x2] =	wrdreg s4  }
0xaf: {  	[dreg:$0x3] =	wrdreg s6  }
0xb0: {  	[dreg:$0x4] =	wrdreg $0xC0  }
0xb1: {  	_ =	task [dreg:s8], $0x5FFFF  }
0xb2: {  	[dreg:$0x1] =	wrdreg $0xFFFFFFFF  }
0xb3: {  	[dreg:$0x0] =	wrdreg $0x60  }
0xb4: {  	[dreg:$0x2] =	wrdreg s16  }
0xb5: {  	[dreg:$0x3] =	wrdreg s15  }
0xb6: {  	[dreg:$0x4] =	wrdreg s24  }
0xb7: {  	[dreg:$0x5] =	wrdreg $0x9  }
0xb8: {  	_ =	task.clear_ibuf [dreg:s8], $0x6FFFF;
	_ =	strace $0x90000046  }
0xb9: {  	s29 =	simm.s32 $0x9;
	_ =	strace $0x80000048  }
0xba: {  	_ =	swait.ge [sflag:s29], $0x1  }
0xbb: {  	[sflag:s29] =	ssyncadd.s32 $0xFFFFFFFF  }
0xbc: {  	_ =	strace $0x90000048  }
0xbd: {  	_ =	sfence  }
0xbe: {  	s30 =	sld [smem:$0x0];
	_ =	sdelay $0x2  }
0xbf: {  	s31 =	sshll.u32 s1, $0xD;
	s1 =	sshrl.u32 s1, $0x2  }
0xc0: {  	s3 =	sand.u32 $0x4000, s31;
	s1 =	sadd.s32 s1, s30  }
0xc1: {  	s0 =	sor.u32 s3, s0;
	s1 =	sshll.u32 s1, $0x11  }
0xc2: {  	s0 =	sor.u32 s1, s0  }
0xc3: {  	s0 =	sadd.s32 $0x8F2B, s0  }
0xc4: {  	[sflag:s0] =	ssyncadd.remote.s32 $0x1  }
0xc5: {  	_ =	sfence.sel $0xFFFF  }
0xc6: {  	[dreg:$0x0] =	wrdreg $0xFFFFFFFF;
	(pc) =	sbr.abs _section_cstart, $3  }
0xc7: {  	[dreg:$0x1] =	wrdreg $0xFFFFFFFF  }
0xc8: {  	_ =	task.clear_ibuf [dreg:s8], $0x2FFFF;
	_ =	strace $0x9FFFFFFF  }
0xc9: {  	(tm) =	ssettm $0x7FFFFFFF  }
tec
execute0_lowered:
.L_overlay_start_1:
0x0: {  	(tag) =	ssettag $0x1  }
0x1: {  	s0 =	rddreg [dreg:$0x0]  }
0x2: {  	s1 =	rddreg [dreg:$0x1]  }
0x3: {  	s2 =	rddreg [dreg:$0x2];
	s3 =	simm.s32 $0x0;
	s4 =	srdreg.scid  }
0x4: {  	s11 =	stileid.u32;
	s25 =	simm.s32 $0x2100;
	s26 =	simm.s32 $0x2900  }
0x5: {  	s31 =	simm.s32 $0x1;
	s28 =	simm.s32 $0x4100;
	s29 =	simm.s32 $0x4900  }
0x6: {  	s30 =	simm.s32 $0x5100;
	[smem:$0x7FF] =	sst s3;
	s4 =	sand.u32 $0x1, s4  }
0x7: {  	s6 =	sshll.u32 s11, $0x8;
	s7 =	sadd.s32 $0x1600, s2;
	s15 =	sshll.u32 s11, $0xC  }
0x8: {  	p0 =	sgt.u32 s11, $0x1;
	_ =	strace $0x80000047;
	s5 =	sshll.u32 s4, $0xB  }
0x9: {  	s4 =	ssub.s32 $0x2, s4;
	s8 =	sadd.s32 s6, s5;
	s6 =	sand.u32 $0x800, s6  }
0xa: {  	s10 =	sshrl.u32 s4, $0x1;
	s5 =	sor.u32 s5, s15;
	s15 =	simm.s32 $0x7900  }
0xb: {  	s6 =	sadd.s32 s6, s8;
	s4 =	ssub.s32 s4, s10;
	s8 =	sshrl.u32 s5, $0x3  }
0xc: {  	s10 =	simm.s32 $0x1100;
	s9 =	sshll.u32 s6, $0x7;
	s0 =	sadd.s32 s0, s8  }
0xd: {  	s16 =	sadd.s32 s7, s8;
	s17 =	sshrl.u32 s6, $0x3;
	s8 =	sadd.s32 $0x200, s1  }
0xe: {  	s14 =	smax.u32 s4, $0x1;
	s4 =	simm.s32 $0x0;
	[dreg:$0x4] =	wrdreg s0  }
0xf: {  	s2 =	sadd.s32 s9, s2;
	[dreg:$0x5] =	wrdreg s16;
	s13 =	sadd.s32 s7, s17  }
0x10: {  	s7 =	sadd.s32 $0x100, s1;
	s9 =	sadd.s32 $0x300, s1;
	[dreg:$0xf] =	wrdreg s14  }
0x11: {  	s0 =	simm.s32 $0x3;
	s18 =	sadd.s32 $0x1A00, s2;
	[dreg:$0x6] =	wrdreg s13  }
0x12: {  	s16 =	simm.s32 $0x8100;
	s19 =	sadd.s32 $0x2A00, s2;
	[dreg:$0x7] =	wrdreg s18  }
0x13: {  	s17 =	simm.s32 $0x8900;
	s20 =	sadd.s32 $0x3A00, s2;
	[dreg:$0x8] =	wrdreg s19  }
0x14: {  	s21 =	sadd.s32 $0x4A00, s2;
	s22 =	sadd.s32 $0x5A00, s2;
	[dreg:$0x9] =	wrdreg s20  }
.Ltmp0:
0x15: {  	s23 =	sadd.s32 $0x6A00, s2;
	[dreg:$0xa] =	wrdreg s21;
	(pc) =	sbr.rel .LBB2_1-.Ltmp0, $4  }
0x16: {  	s24 =	sadd.s32 $0x7A00, s2;
	s12 =	sadd.s32 $0x8A00, s2;
	[dreg:$0xb] =	wrdreg s22  }
0x17: {  	v0 =	vlaneseq.u32;
	s2 =	simm.s32 $0x2;
	s19 =	simm.s32 $0x5;
	[dreg:$0xc] =	wrdreg s23  }
0x18: {  	vm0 =	vmmov $0xffff;
	v2 =	vand.u32 $0x7, v0;
	v3 =	vshrl.u32 v0, $0x3;
	s18 =	simm.s32 $0x1900;
	s20 =	simm.s32 $0x4;
	[dreg:$0xd] =	wrdreg s24  }
0x19: {  	v4 =	vor.u32 $0x8, v0;
	v3 =	vmul.u32 $0x8, v3;
	v1 =	vmov s5;
	[dreg:$0xe] =	wrdreg s12;
	s22 =	simm.s32 $0x5900;
	s24 =	simm.s32 $0x9100  }
.LBB2_4:
0x1a: {  	s11 =	spop (v2sf)  }
0x1b: {  	v7, _, _ =	vpop (xrf0);
	s11 =	sxor.u32 $0x80000000, s11  }
0x1c: {  	v7 =	vadd.s32 s11, v7  }
0x1d: {  	v8 =	vxor.u32 $0x80000000, v7;
	v7 =	vxor.u32 $0xFFFFFFFF, v7  }
0x1e: {  	(xrf0) =	vmax.scan.msk.u32 $0xffff, v8;
	v6 =	vadd.s32 v7, v6  }
0x1f: {  	v7 =	vshra.s32 v6, $0x14  }
0x20: {  	v7 =	vand.u32 $0xFFFFF800, v7  }
0x21: {  	v6 =	vsub.s32 v6, v7;
	_ =	sdelay $0x1  }
0x22: {  	v5 =	vmul.u32 v5, v6  }
0x23: {  	v6, _, _ =	vpop (xrf0)  }
0x24: {  	s18 =	sadd.s32 $0x10, s21;
	v5 =	vadd.s32 v1, v5;
	(v2sf) =	vpush v6, $0xF  }
0x25: {  	s5 =	sadd.s32 $0x10, s5;
	[tilespmem:s18+$0x0] =	vst v5  }
0x26: {  	v5 =	vld [tilespmem:s5+$0x0];
	_ =	sdelay $0x3  }
0x27: {  	v6 =	vor.u32 s6, v0  }
0x28: {  	vm1 =	vlt.s32 v6, $0x1;
	v5 =	vadd.s32 $0xFFFFFFFC, v5  }
0x29: {  	vm2 =	vlt.s32 v5, $0xFFFFFFFF;
	v5 =	vnsel vm1, $0x1, v6  }
0x2a: {  	v7 =	vnsel vm2, $0x0, v5  }
0x2b: {  	(xrf0) =	vadd.scan.msk.s32 $0xffff, v7;
	_ =	sdelay $0x4  }
0x2c: {  	s21 =	spop (v2sf)  }
0x2d: {  	v7, _, _ =	vpop (xrf0);
	s5 =	sxor.u32 $0x80000000, s21  }
0x2e: {  	v7 =	vadd.s32 s5, v7  }
0x2f: {  	v63 =	vxor.u32 $0x80000000, v7  }
0x30: {  	(xrf0) =	vmax.scan.msk.u32 $0xffff, v63;
	_ =	sdelay $0x5  }
0x31: {  	v8, _, _ =	vpop (xrf0)  }
0x32: {  	(v2sf) =	vpush v8, $0xF;
	_ =	sdelay $0x4  }
0x33: {  	v7 =	vxor.u32 $0xFFFFFFFF, v7  }
0x34: {  	v6 =	vadd.s32 v7, v6  }
0x35: {  	v7 =	vshra.s32 v6, $0x14  }
0x36: {  	v7 =	vand.u32 $0xFFFFF800, v7  }
0x37: {  	v6 =	vsub.s32 v6, v7  }
0x38: {  	v5 =	vmul.u32 v5, v6;
	_ =	sdelay $0x1  }
0x39: {  	s23 =	sadd.s32 $0x10, s18;
	v5 =	vadd.s32 v1, v5  }
0x3a: {  	s26 =	simm.s32 $0x800;
	s5 =	rddreg [dreg:$0x5];
	[tilespmem:s23+$0x0] =	vst v5  }
0x3b: {  	[hbm4b:s5+s3] =	stream.linear.scatter [tilespmem:s26], [sflag:$0x5], $0x800, $0x38;
	[tilespmem:$0x11100] =	vst v63  }
0x3c: {  	s25 =	spop (v2sf)  }
0x3d: {  	_ =	swait.ge [sflag:s19], $0x800  }
0x3e: {  	s18 =	simm.s32 $0x1900;
	[sflag:s19] =	ssyncset.done $0x0  }
0x3f: {  	s26 =	simm.s32 $0x2900;
	s25 =	simm.s32 $0x2100;
	[sflag:s19] =	ssyncadd.s32 $0xFFFFF800  }
.LBB2_5:
0x40: {  	[bflag:$0x0] =	sbarrier.arrive $0xFFFF;
	s5 =	simm.s32 $0x1000  }
0x41: {  	[tilespmem:s5], [sflag:$0x5] =	stream.linear.gather [hbm4b:s13+s3], $0x100, $0x38;
	[tilespmem:$0x11100] =	vst v63  }
0x42: {  	_ =	swait.ge [sflag:s19], $0x100  }
0x43: {  	[sflag:s19] =	ssyncset.done $0x0  }
0x44: {  	[sflag:s19] =	ssyncadd.s32 $0xFFFFFF00  }
0x45: {  	v5 =	vld [tilespmem:$0x1000];
	_ =	sdelay $0x4  }
0x46: {  	v6 =	vshll.u32 v5, $0x3  }
0x47: {  	v5 =	vand.u32 $0x7, v5;
	v6 =	vand.u32 $0xFFFFFFC0, v6  }
0x48: {  	v5 =	vor.u32 v5, v6  }
0x49: {  	v6 =	vperm.xlane v5, v2;
	_ =	sdelay $0x1  }
0x4a: {  	v6 =	vadd.s32 v3, v6;
	_ =	sdelay $0x4  }
0x4b: {  	[tilespmem:s10], [sflag:$0x1] =	stream.indirect_vreg.gather [hbm4b:s1+s3], $0x80, v6, vm0, $0xb8;
	[tilespmem:$0x11100] =	vst v63  }
0x4c: {  	v5 =	vperm.xlane v5, v4  }
0x4d: {  	[tilespmem:s18], [sflag:$0x1] =	stream.indirect_vreg.gather [hbm4b:s7+s3], $0x80, v6, vm0, $0xb8;
	[tilespmem:$0x11100] =	vst v63  }
0x4e: {  	v5 =	vadd.s32 v3, v5  }
0x4f: {  	[tilespmem:s25], [sflag:$0x1] =	stream.indirect_vreg.gather [hbm4b:s8+s3], $0x80, v6, vm0, $0xb8;
	[tilespmem:$0x11100] =	vst v63  }
0x50: {  	_ = 	snop  }
0x51: {  	[tilespmem:s26], [sflag:$0x1] =	stream.indirect_vreg.gather [hbm4b:s9+s3], $0x80, v6, vm0, $0xb8;
	[tilespmem:$0x11100] =	vst v63  }
0x52: {  	s21 =	simm.s32 $0x3100  }
0x53: {  	[tilespmem:s21], [sflag:$0x1] =	stream.indirect_vreg.gather [hbm4b:s1+s3], $0x80, v5, vm0, $0xb8;
	[tilespmem:$0x11100] =	vst v63  }
0x54: {  	s11 =	simm.s32 $0x3900  }
0x55: {  	[tilespmem:s11], [sflag:$0x1] =	stream.indirect_vreg.gather [hbm4b:s7+s3], $0x80, v5, vm0, $0xb8;
	[tilespmem:$0x11100] =	vst v63  }
0x56: {  	_ = 	snop  }
0x57: {  	[tilespmem:s28], [sflag:$0x1] =	stream.indirect_vreg.gather [hbm4b:s8+s3], $0x80, v5, vm0, $0xb8;
	[tilespmem:$0x11100] =	vst v63  }
0x58: {  	_ = 	snop  }
0x59: {  	[tilespmem:s29], [sflag:$0x1] =	stream.indirect_vreg.gather [hbm4b:s9+s3], $0x80, v5, vm0, $0xb8;
	[tilespmem:$0x11100] =	vst v63  }
0x5a: {  	v5 =	vld [tilespmem:$0x1010];
	_ =	sdelay $0x4  }
0x5b: {  	v6 =	vshll.u32 v5, $0x3  }
0x5c: {  	v5 =	vand.u32 $0x7, v5;
	v6 =	vand.u32 $0xFFFFFFC0, v6  }
0x5d: {  	v5 =	vor.u32 v5, v6  }
0x5e: {  	v6 =	vperm.xlane v5, v2;
	_ =	sdelay $0x1  }
0x5f: {  	v6 =	vadd.s32 v3, v6;
	_ =	sdelay $0x4  }
0x60: {  	[tilespmem:s30], [sflag:$0x1] =	stream.indirect_vreg.gather [hbm4b:s1+s3], $0x80, v6, vm0, $0xb8;
	[tilespmem:$0x11100] =	vst v63  }
0x61: {  	v5 =	vperm.xlane v5, v4  }
0x62: {  	[tilespmem:s22], [sflag:$0x1] =	stream.indirect_vreg.gather [hbm4b:s7+s3], $0x80, v6, vm0, $0xb8;
	[tilespmem:$0x11100] =	vst v63  }
0x63: {  	s12 =	simm.s32 $0x6100;
	v5 =	vadd.s32 v3, v5  }
0x64: {  	[tilespmem:s12], [sflag:$0x1] =	stream.indirect_vreg.gather [hbm4b:s8+s3], $0x80, v6, vm0, $0xb8;
	[tilespmem:$0x11100] =	vst v63  }
0x65: {  	s13 =	simm.s32 $0x6900  }
0x66: {  	[tilespmem:s13], [sflag:$0x1] =	stream.indirect_vreg.gather [hbm4b:s9+s3], $0x80, v6, vm0, $0xb8;
	[tilespmem:$0x11100] =	vst v63  }
0x67: {  	s14 =	simm.s32 $0x7100  }
0x68: {  	[tilespmem:s14], [sflag:$0x1] =	stream.indirect_vreg.gather [hbm4b:s1+s3], $0x80, v5, vm0, $0xb8;
	[tilespmem:$0x11100] =	vst v63  }
0x69: {  	_ = 	snop  }
0x6a: {  	[tilespmem:s15], [sflag:$0x1] =	stream.indirect_vreg.gather [hbm4b:s7+s3], $0x80, v5, vm0, $0xb8;
	[tilespmem:$0x11100] =	vst v63  }
0x6b: {  	_ = 	snop  }
0x6c: {  	[tilespmem:s16], [sflag:$0x1] =	stream.indirect_vreg.gather [hbm4b:s8+s3], $0x80, v5, vm0, $0xb8;
	[tilespmem:$0x11100] =	vst v63  }
0x6d: {  	_ = 	snop  }
0x6e: {  	[tilespmem:s17], [sflag:$0x1] =	stream.indirect_vreg.gather [hbm4b:s9+s3], $0x80, v5, vm0, $0xb8;
	[tilespmem:$0x11100] =	vst v63  }
0x6f: {  	v5 =	vld [tilespmem:$0x1020];
	_ =	sdelay $0x4  }
0x70: {  	v6 =	vshll.u32 v5, $0x3  }
0x71: {  	v5 =	vand.u32 $0x7, v5;
	v6 =	vand.u32 $0xFFFFFFC0, v6  }
0x72: {  	v5 =	vor.u32 v5, v6  }
0x73: {  	v6 =	vperm.xlane v5, v2;
	_ =	sdelay $0x1  }
0x74: {  	v6 =	vadd.s32 v3, v6;
	_ =	sdelay $0x4  }
0x75: {  	[tilespmem:s24], [sflag:$0x2] =	stream.indirect_vreg.gather [hbm4b:s1+s3], $0x80, v6, vm0, $0xb8;
	[tilespmem:$0x11100] =	vst v63  }
0x76: {  	s23 =	simm.s32 $0x9900;
	v5 =	vperm.xlane v5, v4  }
0x77: {  	[tilespmem:s23], [sflag:$0x2] =	stream.indirect_vreg.gather [hbm4b:s7+s3], $0x80, v6, vm0, $0xb8;
	[tilespmem:$0x11100] =	vst v63  }
0x78: {  	s5 =	simm.s32 $0xA100;
	v5 =	vadd.s32 v3, v5  }
0x79: {  	[tilespmem:s5], [sflag:$0x2] =	stream.indirect_vreg.gather [hbm4b:s8+s3], $0x80, v6, vm0, $0xb8;
	[tilespmem:$0x11100] =	vst v63  }
0x7a: {  	s6 =	simm.s32 $0xA900  }
0x7b: {  	[tilespmem:s6], [sflag:$0x2] =	stream.indirect_vreg.gather [hbm4b:s9+s3], $0x80, v6, vm0, $0xb8;
	[tilespmem:$0x11100] =	vst v63  }
0x7c: {  	s5 =	simm.s32 $0xB100  }
0x7d: {  	[tilespmem:s5], [sflag:$0x2] =	stream.indirect_vreg.gather [hbm4b:s1+s3], $0x80, v5, vm0, $0xb8;
	[tilespmem:$0x11100] =	vst v63  }
0x7e: {  	s6 =	simm.s32 $0xB900  }
0x7f: {  	[tilespmem:s6], [sflag:$0x2] =	stream.indirect_vreg.gather [hbm4b:s7+s3], $0x80, v5, vm0, $0xb8;
	[tilespmem:$0x11100] =	vst v63  }
0x80: {  	s5 =	simm.s32 $0xC100  }
0x81: {  	[tilespmem:s5], [sflag:$0x2] =	stream.indirect_vreg.gather [hbm4b:s8+s3], $0x80, v5, vm0, $0xb8;
	[tilespmem:$0x11100] =	vst v63  }
0x82: {  	s5 =	simm.s32 $0xC900  }
0x83: {  	[tilespmem:s5], [sflag:$0x2] =	stream.indirect_vreg.gather [hbm4b:s9+s3], $0x80, v5, vm0, $0xb8;
	[tilespmem:$0x11100] =	vst v63  }
0x84: {  	v5 =	vld [tilespmem:$0x1030];
	_ =	sdelay $0x4  }
0x85: {  	v6 =	vshll.u32 v5, $0x3  }
0x86: {  	v5 =	vand.u32 $0x7, v5;
	v6 =	vand.u32 $0xFFFFFFC0, v6  }
0x87: {  	v5 =	vor.u32 v5, v6  }
0x88: {  	v6 =	vperm.xlane v5, v2;
	_ =	sdelay $0x1  }
0x89: {  	v6 =	vadd.s32 v3, v6;
	_ =	sdelay $0x3  }
0x8a: {  	s19 =	simm.s32 $0xD100  }
0x8b: {  	[tilespmem:s19], [sflag:$0x2] =	stream.indirect_vreg.gather [hbm4b:s1+s3], $0x80, v6, vm0, $0xb8;
	[tilespmem:$0x11100] =	vst v63  }
0x8c: {  	v5 =	vperm.xlane v5, v4;
	s19 =	simm.s32 $0xD900  }
0x8d: {  	[tilespmem:s19], [sflag:$0x2] =	stream.indirect_vreg.gather [hbm4b:s7+s3], $0x80, v6, vm0, $0xb8;
	[tilespmem:$0x11100] =	vst v63  }
0x8e: {  	v5 =	vadd.s32 v3, v5;
	s19 =	simm.s32 $0xE100  }
0x8f: {  	[tilespmem:s19], [sflag:$0x2] =	stream.indirect_vreg.gather [hbm4b:s8+s3], $0x80, v6, vm0, $0xb8;
	[tilespmem:$0x11100] =	vst v63  }
0x90: {  	s19 =	simm.s32 $0xE900  }
0x91: {  	[tilespmem:s19], [sflag:$0x2] =	stream.indirect_vreg.gather [hbm4b:s9+s3], $0x80, v6, vm0, $0xb8;
	[tilespmem:$0x11100] =	vst v63  }
0x92: {  	s19 =	simm.s32 $0xF100  }
0x93: {  	[tilespmem:s19], [sflag:$0x2] =	stream.indirect_vreg.gather [hbm4b:s1+s3], $0x80, v5, vm0, $0xb8;
	[tilespmem:$0x11100] =	vst v63  }
0x94: {  	s19 =	simm.s32 $0xF900  }
0x95: {  	[tilespmem:s19], [sflag:$0x2] =	stream.indirect_vreg.gather [hbm4b:s7+s3], $0x80, v5, vm0, $0xb8;
	[tilespmem:$0x11100] =	vst v63  }
0x96: {  	s19 =	simm.s32 $0x10100  }
0x97: {  	[tilespmem:s19], [sflag:$0x2] =	stream.indirect_vreg.gather [hbm4b:s8+s3], $0x80, v5, vm0, $0xb8;
	[tilespmem:$0x11100] =	vst v63  }
0x98: {  	s19 =	simm.s32 $0x10900  }
0x99: {  	[tilespmem:s19], [sflag:$0x2] =	stream.indirect_vreg.gather [hbm4b:s9+s3], $0x80, v5, vm0, $0xb8;
	[tilespmem:$0x11100] =	vst v63  }
0x9a: {  	_ =	swait.ge [sflag:s31], $0x8000  }
0x9b: {  	[sflag:s31] =	ssyncset.done $0x0  }
0x9c: {  	s19 =	rddreg [dreg:$0x7];
	[sflag:s31] =	ssyncadd.s32 $0xFFFF8000  }
0x9d: {  	[hbm4b:s19+s3] =	stream.linear.scatter [tilespmem:s10], [sflag:$0x3], $0x8000, $0x38;
	[tilespmem:$0x11100] =	vst v63  }
0x9e: {  	_ =	swait.ge [sflag:s0], $0x8000  }
0x9f: {  	[sflag:s0] =	ssyncset.done $0x0  }
0xa0: {  	[sflag:s0] =	ssyncadd.s32 $0xFFFF8000  }
0xa1: {  	v5 =	vld [tilespmem:$0x1040];
	_ =	sdelay $0x4  }
0xa2: {  	v6 =	vshll.u32 v5, $0x3  }
0xa3: {  	v5 =	vand.u32 $0x7, v5;
	v6 =	vand.u32 $0xFFFFFFC0, v6  }
0xa4: {  	v5 =	vor.u32 v5, v6  }
0xa5: {  	v6 =	vperm.xlane v5, v2;
	_ =	sdelay $0x1  }
0xa6: {  	v6 =	vadd.s32 v3, v6;
	_ =	sdelay $0x4  }
0xa7: {  	[tilespmem:s10], [sflag:$0x1] =	stream.indirect_vreg.gather [hbm4b:s1+s3], $0x80, v6, vm0, $0xb8;
	[tilespmem:$0x11100] =	vst v63  }
0xa8: {  	v5 =	vperm.xlane v5, v4  }
0xa9: {  	[tilespmem:s18], [sflag:$0x1] =	stream.indirect_vreg.gather [hbm4b:s7+s3], $0x80, v6, vm0, $0xb8;
	[tilespmem:$0x11100] =	vst v63  }
0xaa: {  	v5 =	vadd.s32 v3, v5  }
0xab: {  	[tilespmem:s25], [sflag:$0x1] =	stream.indirect_vreg.gather [hbm4b:s8+s3], $0x80, v6, vm0, $0xb8;
	[tilespmem:$0x11100] =	vst v63  }
0xac: {  	_ = 	snop  }
0xad: {  	[tilespmem:s26], [sflag:$0x1] =	stream.indirect_vreg.gather [hbm4b:s9+s3], $0x80, v6, vm0, $0xb8;
	[tilespmem:$0x11100] =	vst v63  }
0xae: {  	_ = 	snop  }
0xaf: {  	[tilespmem:s21], [sflag:$0x1] =	stream.indirect_vreg.gather [hbm4b:s1+s3], $0x80, v5, vm0, $0xb8;
	[tilespmem:$0x11100] =	vst v63  }
0xb0: {  	_ = 	snop  }
0xb1: {  	[tilespmem:s11], [sflag:$0x1] =	stream.indirect_vreg.gather [hbm4b:s7+s3], $0x80, v5, vm0, $0xb8;
	[tilespmem:$0x11100] =	vst v63  }
0xb2: {  	_ = 	snop  }
0xb3: {  	[tilespmem:s28], [sflag:$0x1] =	stream.indirect_vreg.gather [hbm4b:s8+s3], $0x80, v5, vm0, $0xb8;
	[tilespmem:$0x11100] =	vst v63  }
0xb4: {  	_ = 	snop  }
0xb5: {  	[tilespmem:s29], [sflag:$0x1] =	stream.indirect_vreg.gather [hbm4b:s9+s3], $0x80, v5, vm0, $0xb8;
	[tilespmem:$0x11100] =	vst v63  }
0xb6: {  	v5 =	vld [tilespmem:$0x1050];
	_ =	sdelay $0x4  }
0xb7: {  	v6 =	vshll.u32 v5, $0x3  }
0xb8: {  	v5 =	vand.u32 $0x7, v5;
	v6 =	vand.u32 $0xFFFFFFC0, v6  }
0xb9: {  	v5 =	vor.u32 v5, v6  }
0xba: {  	v6 =	vperm.xlane v5, v2;
	_ =	sdelay $0x1  }
0xbb: {  	v6 =	vadd.s32 v3, v6;
	_ =	sdelay $0x4  }
0xbc: {  	[tilespmem:s30], [sflag:$0x1] =	stream.indirect_vreg.gather [hbm4b:s1+s3], $0x80, v6, vm0, $0xb8;
	[tilespmem:$0x11100] =	vst v63  }
0xbd: {  	v5 =	vperm.xlane v5, v4  }
0xbe: {  	[tilespmem:s22], [sflag:$0x1] =	stream.indirect_vreg.gather [hbm4b:s7+s3], $0x80, v6, vm0, $0xb8;
	[tilespmem:$0x11100] =	vst v63  }
0xbf: {  	v5 =	vadd.s32 v3, v5  }
0xc0: {  	[tilespmem:s12], [sflag:$0x1] =	stream.indirect_vreg.gather [hbm4b:s8+s3], $0x80, v6, vm0, $0xb8;
	[tilespmem:$0x11100] =	vst v63  }
0xc1: {  	_ = 	snop  }
0xc2: {  	[tilespmem:s13], [sflag:$0x1] =	stream.indirect_vreg.gather [hbm4b:s9+s3], $0x80, v6, vm0, $0xb8;
	[tilespmem:$0x11100] =	vst v63  }
0xc3: {  	_ = 	snop  }
0xc4: {  	[tilespmem:s14], [sflag:$0x1] =	stream.indirect_vreg.gather [hbm4b:s1+s3], $0x80, v5, vm0, $0xb8;
	[tilespmem:$0x11100] =	vst v63  }
0xc5: {  	_ = 	snop  }
0xc6: {  	[tilespmem:s15], [sflag:$0x1] =	stream.indirect_vreg.gather [hbm4b:s7+s3], $0x80, v5, vm0, $0xb8;
	[tilespmem:$0x11100] =	vst v63  }
0xc7: {  	_ = 	snop  }
0xc8: {  	[tilespmem:s16], [sflag:$0x1] =	stream.indirect_vreg.gather [hbm4b:s8+s3], $0x80, v5, vm0, $0xb8;
	[tilespmem:$0x11100] =	vst v63  }
0xc9: {  	_ = 	snop  }
0xca: {  	[tilespmem:s17], [sflag:$0x1] =	stream.indirect_vreg.gather [hbm4b:s9+s3], $0x80, v5, vm0, $0xb8;
	[tilespmem:$0x11100] =	vst v63  }
0xcb: {  	_ =	swait.ge [sflag:s2], $0x8000  }
0xcc: {  	[sflag:s2] =	ssyncset.done $0x0  }
0xcd: {  	s19 =	rddreg [dreg:$0x8];
	[sflag:s2] =	ssyncadd.s32 $0xFFFF8000  }
0xce: {  	[hbm4b:s19+s3] =	stream.linear.scatter [tilespmem:s24], [sflag:$0x4], $0x8000, $0x38;
	[tilespmem:$0x11100] =	vst v63  }
0xcf: {  	_ =	swait.ge [sflag:s20], $0x8000  }
0xd0: {  	[sflag:s20] =	ssyncset.done $0x0  }
0xd1: {  	[sflag:s20] =	ssyncadd.s32 $0xFFFF8000  }
0xd2: {  	v5 =	vld [tilespmem:$0x1060];
	_ =	sdelay $0x4  }
0xd3: {  	v6 =	vshll.u32 v5, $0x3  }
0xd4: {  	v5 =	vand.u32 $0x7, v5;
	v6 =	vand.u32 $0xFFFFFFC0, v6  }
0xd5: {  	v5 =	vor.u32 v5, v6  }
0xd6: {  	v6 =	vperm.xlane v5, v2;
	_ =	sdelay $0x1  }
0xd7: {  	v6 =	vadd.s32 v3, v6;
	_ =	sdelay $0x4  }
0xd8: {  	[tilespmem:s24], [sflag:$0x2] =	stream.indirect_vreg.gather [hbm4b:s1+s3], $0x80, v6, vm0, $0xb8;
	[tilespmem:$0x11100] =	vst v63  }
0xd9: {  	s23 =	simm.s32 $0x9900;
	v5 =	vperm.xlane v5, v4  }
0xda: {  	[tilespmem:s23], [sflag:$0x2] =	stream.indirect_vreg.gather [hbm4b:s7+s3], $0x80, v6, vm0, $0xb8;
	[tilespmem:$0x11100] =	vst v63  }
0xdb: {  	v5 =	vadd.s32 v3, v5;
	s23 =	simm.s32 $0xA100  }
0xdc: {  	[tilespmem:s23], [sflag:$0x2] =	stream.indirect_vreg.gather [hbm4b:s8+s3], $0x80, v6, vm0, $0xb8;
	[tilespmem:$0x11100] =	vst v63  }
0xdd: {  	s23 =	simm.s32 $0xA900  }
0xde: {  	[tilespmem:s23], [sflag:$0x2] =	stream.indirect_vreg.gather [hbm4b:s9+s3], $0x80, v6, vm0, $0xb8;
	[tilespmem:$0x11100] =	vst v63  }
0xdf: {  	s23 =	simm.s32 $0xB100  }
0xe0: {  	[tilespmem:s23], [sflag:$0x2] =	stream.indirect_vreg.gather [hbm4b:s1+s3], $0x80, v5, vm0, $0xb8;
	[tilespmem:$0x11100] =	vst v63  }
0xe1: {  	s6 =	simm.s32 $0xB900  }
0xe2: {  	[tilespmem:s6], [sflag:$0x2] =	stream.indirect_vreg.gather [hbm4b:s7+s3], $0x80, v5, vm0, $0xb8;
	[tilespmem:$0x11100] =	vst v63  }
0xe3: {  	s19 =	simm.s32 $0xC100  }
0xe4: {  	[tilespmem:s19], [sflag:$0x2] =	stream.indirect_vreg.gather [hbm4b:s8+s3], $0x80, v5, vm0, $0xb8;
	[tilespmem:$0x11100] =	vst v63  }
0xe5: {  	s5 =	simm.s32 $0xC900  }
0xe6: {  	[tilespmem:s5], [sflag:$0x2] =	stream.indirect_vreg.gather [hbm4b:s9+s3], $0x80, v5, vm0, $0xb8;
	[tilespmem:$0x11100] =	vst v63  }
0xe7: {  	v5 =	vld [tilespmem:$0x1070];
	_ =	sdelay $0x4  }
0xe8: {  	v6 =	vshll.u32 v5, $0x3  }
0xe9: {  	v5 =	vand.u32 $0x7, v5;
	v6 =	vand.u32 $0xFFFFFFC0, v6  }
0xea: {  	v5 =	vor.u32 v5, v6  }
0xeb: {  	v6 =	vperm.xlane v5, v2;
	_ =	sdelay $0x1  }
0xec: {  	v6 =	vadd.s32 v3, v6;
	_ =	sdelay $0x3  }
0xed: {  	s19 =	simm.s32 $0xD100  }
0xee: {  	[tilespmem:s19], [sflag:$0x2] =	stream.indirect_vreg.gather [hbm4b:s1+s3], $0x80, v6, vm0, $0xb8;
	[tilespmem:$0x11100] =	vst v63  }
0xef: {  	v5 =	vperm.xlane v5, v4;
	s19 =	simm.s32 $0xD900  }
0xf0: {  	[tilespmem:s19], [sflag:$0x2] =	stream.indirect_vreg.gather [hbm4b:s7+s3], $0x80, v6, vm0, $0xb8;
	[tilespmem:$0x11100] =	vst v63  }
0xf1: {  	v5 =	vadd.s32 v3, v5;
	s19 =	simm.s32 $0xE100  }
0xf2: {  	[tilespmem:s19], [sflag:$0x2] =	stream.indirect_vreg.gather [hbm4b:s8+s3], $0x80, v6, vm0, $0xb8;
	[tilespmem:$0x11100] =	vst v63  }
0xf3: {  	s19 =	simm.s32 $0xE900  }
0xf4: {  	[tilespmem:s19], [sflag:$0x2] =	stream.indirect_vreg.gather [hbm4b:s9+s3], $0x80, v6, vm0, $0xb8;
	[tilespmem:$0x11100] =	vst v63  }
0xf5: {  	s19 =	simm.s32 $0xF100  }
0xf6: {  	[tilespmem:s19], [sflag:$0x2] =	stream.indirect_vreg.gather [hbm4b:s1+s3], $0x80, v5, vm0, $0xb8;
	[tilespmem:$0x11100] =	vst v63  }
0xf7: {  	s19 =	simm.s32 $0xF900  }
0xf8: {  	[tilespmem:s19], [sflag:$0x2] =	stream.indirect_vreg.gather [hbm4b:s7+s3], $0x80, v5, vm0, $0xb8;
	[tilespmem:$0x11100] =	vst v63  }
0xf9: {  	s19 =	simm.s32 $0x10100  }
0xfa: {  	[tilespmem:s19], [sflag:$0x2] =	stream.indirect_vreg.gather [hbm4b:s8+s3], $0x80, v5, vm0, $0xb8;
	[tilespmem:$0x11100] =	vst v63  }
0xfb: {  	s19 =	simm.s32 $0x10900  }
0xfc: {  	[tilespmem:s19], [sflag:$0x2] =	stream.indirect_vreg.gather [hbm4b:s9+s3], $0x80, v5, vm0, $0xb8;
	[tilespmem:$0x11100] =	vst v63  }
0xfd: {  	_ =	swait.ge [sflag:s31], $0x8000  }
0xfe: {  	[sflag:s31] =	ssyncset.done $0x0  }
0xff: {  	s5 =	rddreg [dreg:$0x9];
	[sflag:s31] =	ssyncadd.s32 $0xFFFF8000  }
0x100: {  	[hbm4b:s5+s3] =	stream.linear.scatter [tilespmem:s10], [sflag:$0x3], $0x8000, $0x38;
	[tilespmem:$0x11100] =	vst v63  }
0x101: {  	_ =	swait.ge [sflag:s0], $0x8000  }
0x102: {  	[sflag:s0] =	ssyncset.done $0x0  }
0x103: {  	[sflag:s0] =	ssyncadd.s32 $0xFFFF8000  }
0x104: {  	v5 =	vld [tilespmem:$0x1080];
	_ =	sdelay $0x4  }
0x105: {  	v6 =	vshll.u32 v5, $0x3  }
0x106: {  	v5 =	vand.u32 $0x7, v5;
	v6 =	vand.u32 $0xFFFFFFC0, v6  }
0x107: {  	v5 =	vor.u32 v5, v6  }
0x108: {  	v6 =	vperm.xlane v5, v2;
	_ =	sdelay $0x1  }
0x109: {  	v6 =	vadd.s32 v3, v6;
	_ =	sdelay $0x4  }
0x10a: {  	[tilespmem:s10], [sflag:$0x1] =	stream.indirect_vreg.gather [hbm4b:s1+s3], $0x80, v6, vm0, $0xb8;
	[tilespmem:$0x11100] =	vst v63  }
0x10b: {  	v5 =	vperm.xlane v5, v4  }
0x10c: {  	[tilespmem:s18], [sflag:$0x1] =	stream.indirect_vreg.gather [hbm4b:s7+s3], $0x80, v6, vm0, $0xb8;
	[tilespmem:$0x11100] =	vst v63  }
0x10d: {  	v5 =	vadd.s32 v3, v5  }
0x10e: {  	[tilespmem:s25], [sflag:$0x1] =	stream.indirect_vreg.gather [hbm4b:s8+s3], $0x80, v6, vm0, $0xb8;
	[tilespmem:$0x11100] =	vst v63  }
0x10f: {  	_ = 	snop  }
0x110: {  	[tilespmem:s26], [sflag:$0x1] =	stream.indirect_vreg.gather [hbm4b:s9+s3], $0x80, v6, vm0, $0xb8;
	[tilespmem:$0x11100] =	vst v63  }
0x111: {  	_ = 	snop  }
0x112: {  	[tilespmem:s21], [sflag:$0x1] =	stream.indirect_vreg.gather [hbm4b:s1+s3], $0x80, v5, vm0, $0xb8;
	[tilespmem:$0x11100] =	vst v63  }
0x113: {  	_ = 	snop  }
0x114: {  	[tilespmem:s11], [sflag:$0x1] =	stream.indirect_vreg.gather [hbm4b:s7+s3], $0x80, v5, vm0, $0xb8;
	[tilespmem:$0x11100] =	vst v63  }
0x115: {  	_ = 	snop  }
0x116: {  	[tilespmem:s28], [sflag:$0x1] =	stream.indirect_vreg.gather [hbm4b:s8+s3], $0x80, v5, vm0, $0xb8;
	[tilespmem:$0x11100] =	vst v63  }
0x117: {  	_ = 	snop  }
0x118: {  	[tilespmem:s29], [sflag:$0x1] =	stream.indirect_vreg.gather [hbm4b:s9+s3], $0x80, v5, vm0, $0xb8;
	[tilespmem:$0x11100] =	vst v63  }
0x119: {  	v5 =	vld [tilespmem:$0x1090];
	_ =	sdelay $0x4  }
0x11a: {  	v6 =	vshll.u32 v5, $0x3  }
0x11b: {  	v5 =	vand.u32 $0x7, v5;
	v6 =	vand.u32 $0xFFFFFFC0, v6  }
0x11c: {  	v5 =	vor.u32 v5, v6  }
0x11d: {  	v6 =	vperm.xlane v5, v2;
	_ =	sdelay $0x1  }
0x11e: {  	v6 =	vadd.s32 v3, v6;
	_ =	sdelay $0x4  }
0x11f: {  	[tilespmem:s30], [sflag:$0x1] =	stream.indirect_vreg.gather [hbm4b:s1+s3], $0x80, v6, vm0, $0xb8;
	[tilespmem:$0x11100] =	vst v63  }
0x120: {  	v5 =	vperm.xlane v5, v4  }
0x121: {  	[tilespmem:s22], [sflag:$0x1] =	stream.indirect_vreg.gather [hbm4b:s7+s3], $0x80, v6, vm0, $0xb8;
	[tilespmem:$0x11100] =	vst v63  }
0x122: {  	v5 =	vadd.s32 v3, v5  }
0x123: {  	[tilespmem:s12], [sflag:$0x1] =	stream.indirect_vreg.gather [hbm4b:s8+s3], $0x80, v6, vm0, $0xb8;
	[tilespmem:$0x11100] =	vst v63  }
0x124: {  	_ = 	snop  }
0x125: {  	[tilespmem:s13], [sflag:$0x1] =	stream.indirect_vreg.gather [hbm4b:s9+s3], $0x80, v6, vm0, $0xb8;
	[tilespmem:$0x11100] =	vst v63  }
0x126: {  	_ = 	snop  }
0x127: {  	[tilespmem:s14], [sflag:$0x1] =	stream.indirect_vreg.gather [hbm4b:s1+s3], $0x80, v5, vm0, $0xb8;
	[tilespmem:$0x11100] =	vst v63  }
0x128: {  	_ = 	snop  }
0x129: {  	[tilespmem:s15], [sflag:$0x1] =	stream.indirect_vreg.gather [hbm4b:s7+s3], $0x80, v5, vm0, $0xb8;
	[tilespmem:$0x11100] =	vst v63  }
0x12a: {  	_ = 	snop  }
0x12b: {  	[tilespmem:s16], [sflag:$0x1] =	stream.indirect_vreg.gather [hbm4b:s8+s3], $0x80, v5, vm0, $0xb8;
	[tilespmem:$0x11100] =	vst v63  }
0x12c: {  	_ = 	snop  }
0x12d: {  	[tilespmem:s17], [sflag:$0x1] =	stream.indirect_vreg.gather [hbm4b:s9+s3], $0x80, v5, vm0, $0xb8;
	[tilespmem:$0x11100] =	vst v63  }
0x12e: {  	_ =	swait.ge [sflag:s2], $0x8000  }
0x12f: {  	[sflag:s2] =	ssyncset.done $0x0  }
0x130: {  	s5 =	rddreg [dreg:$0xa];
	[sflag:s2] =	ssyncadd.s32 $0xFFFF8000  }
0x131: {  	[hbm4b:s5+s3] =	stream.linear.scatter [tilespmem:s24], [sflag:$0x4], $0x8000, $0x38;
	[tilespmem:$0x11100] =	vst v63  }
0x132: {  	_ =	swait.ge [sflag:s20], $0x8000  }
0x133: {  	[sflag:s20] =	ssyncset.done $0x0  }
0x134: {  	[sflag:s20] =	ssyncadd.s32 $0xFFFF8000  }
0x135: {  	v5 =	vld [tilespmem:$0x10A0];
	_ =	sdelay $0x4  }
0x136: {  	v6 =	vshll.u32 v5, $0x3  }
0x137: {  	v5 =	vand.u32 $0x7, v5;
	v6 =	vand.u32 $0xFFFFFFC0, v6  }
0x138: {  	v5 =	vor.u32 v5, v6  }
0x139: {  	v6 =	vperm.xlane v5, v2;
	_ =	sdelay $0x1  }
0x13a: {  	v6 =	vadd.s32 v3, v6;
	_ =	sdelay $0x4  }
0x13b: {  	[tilespmem:s24], [sflag:$0x2] =	stream.indirect_vreg.gather [hbm4b:s1+s3], $0x80, v6, vm0, $0xb8;
	[tilespmem:$0x11100] =	vst v63  }
0x13c: {  	s19 =	simm.s32 $0x9900;
	v5 =	vperm.xlane v5, v4  }
0x13d: {  	[tilespmem:s19], [sflag:$0x2] =	stream.indirect_vreg.gather [hbm4b:s7+s3], $0x80, v6, vm0, $0xb8;
	[tilespmem:$0x11100] =	vst v63  }
0x13e: {  	v5 =	vadd.s32 v3, v5;
	s19 =	simm.s32 $0xA100  }
0x13f: {  	[tilespmem:s19], [sflag:$0x2] =	stream.indirect_vreg.gather [hbm4b:s8+s3], $0x80, v6, vm0, $0xb8;
	[tilespmem:$0x11100] =	vst v63  }
0x140: {  	s19 =	simm.s32 $0xA900  }
0x141: {  	[tilespmem:s19], [sflag:$0x2] =	stream.indirect_vreg.gather [hbm4b:s9+s3], $0x80, v6, vm0, $0xb8;
	[tilespmem:$0x11100] =	vst v63  }
0x142: {  	s23 =	simm.s32 $0xB100  }
0x143: {  	[tilespmem:s23], [sflag:$0x2] =	stream.indirect_vreg.gather [hbm4b:s1+s3], $0x80, v5, vm0, $0xb8;
	[tilespmem:$0x11100] =	vst v63  }
0x144: {  	s23 =	simm.s32 $0xB900  }
0x145: {  	[tilespmem:s23], [sflag:$0x2] =	stream.indirect_vreg.gather [hbm4b:s7+s3], $0x80, v5, vm0, $0xb8;
	[tilespmem:$0x11100] =	vst v63  }
0x146: {  	s6 =	simm.s32 $0xC100  }
0x147: {  	[tilespmem:s6], [sflag:$0x2] =	stream.indirect_vreg.gather [hbm4b:s8+s3], $0x80, v5, vm0, $0xb8;
	[tilespmem:$0x11100] =	vst v63  }
0x148: {  	s19 =	simm.s32 $0xC900  }
0x149: {  	[tilespmem:s19], [sflag:$0x2] =	stream.indirect_vreg.gather [hbm4b:s9+s3], $0x80, v5, vm0, $0xb8;
	[tilespmem:$0x11100] =	vst v63  }
0x14a: {  	v5 =	vld [tilespmem:$0x10B0];
	_ =	sdelay $0x4  }
0x14b: {  	v6 =	vshll.u32 v5, $0x3  }
0x14c: {  	v5 =	vand.u32 $0x7, v5;
	v6 =	vand.u32 $0xFFFFFFC0, v6  }
0x14d: {  	v5 =	vor.u32 v5, v6  }
0x14e: {  	v6 =	vperm.xlane v5, v2;
	_ =	sdelay $0x1  }
0x14f: {  	v6 =	vadd.s32 v3, v6;
	_ =	sdelay $0x3  }
0x150: {  	s19 =	simm.s32 $0xD100  }
0x151: {  	[tilespmem:s19], [sflag:$0x2] =	stream.indirect_vreg.gather [hbm4b:s1+s3], $0x80, v6, vm0, $0xb8;
	[tilespmem:$0x11100] =	vst v63  }
0x152: {  	v5 =	vperm.xlane v5, v4;
	s19 =	simm.s32 $0xD900  }
0x153: {  	[tilespmem:s19], [sflag:$0x2] =	stream.indirect_vreg.gather [hbm4b:s7+s3], $0x80, v6, vm0, $0xb8;
	[tilespmem:$0x11100] =	vst v63  }
0x154: {  	v5 =	vadd.s32 v3, v5;
	s19 =	simm.s32 $0xE100  }
0x155: {  	[tilespmem:s19], [sflag:$0x2] =	stream.indirect_vreg.gather [hbm4b:s8+s3], $0x80, v6, vm0, $0xb8;
	[tilespmem:$0x11100] =	vst v63  }
0x156: {  	s19 =	simm.s32 $0xE900  }
0x157: {  	[tilespmem:s19], [sflag:$0x2] =	stream.indirect_vreg.gather [hbm4b:s9+s3], $0x80, v6, vm0, $0xb8;
	[tilespmem:$0x11100] =	vst v63  }
0x158: {  	s19 =	simm.s32 $0xF100  }
0x159: {  	[tilespmem:s19], [sflag:$0x2] =	stream.indirect_vreg.gather [hbm4b:s1+s3], $0x80, v5, vm0, $0xb8;
	[tilespmem:$0x11100] =	vst v63  }
0x15a: {  	s19 =	simm.s32 $0xF900  }
0x15b: {  	[tilespmem:s19], [sflag:$0x2] =	stream.indirect_vreg.gather [hbm4b:s7+s3], $0x80, v5, vm0, $0xb8;
	[tilespmem:$0x11100] =	vst v63  }
0x15c: {  	s19 =	simm.s32 $0x10100  }
0x15d: {  	[tilespmem:s19], [sflag:$0x2] =	stream.indirect_vreg.gather [hbm4b:s8+s3], $0x80, v5, vm0, $0xb8;
	[tilespmem:$0x11100] =	vst v63  }
0x15e: {  	s19 =	simm.s32 $0x10900  }
0x15f: {  	[tilespmem:s19], [sflag:$0x2] =	stream.indirect_vreg.gather [hbm4b:s9+s3], $0x80, v5, vm0, $0xb8;
	[tilespmem:$0x11100] =	vst v63  }
0x160: {  	_ =	swait.ge [sflag:s31], $0x8000  }
0x161: {  	[sflag:s31] =	ssyncset.done $0x0  }
0x162: {  	s6 =	rddreg [dreg:$0xb];
	[sflag:s31] =	ssyncadd.s32 $0xFFFF8000  }
0x163: {  	[hbm4b:s6+s3] =	stream.linear.scatter [tilespmem:s10], [sflag:$0x3], $0x8000, $0x38;
	[tilespmem:$0x11100] =	vst v63  }
0x164: {  	_ =	swait.ge [sflag:s0], $0x8000  }
0x165: {  	[sflag:s0] =	ssyncset.done $0x0  }
0x166: {  	[sflag:s0] =	ssyncadd.s32 $0xFFFF8000  }
0x167: {  	v5 =	vld [tilespmem:$0x10C0];
	_ =	sdelay $0x4  }
0x168: {  	v6 =	vshll.u32 v5, $0x3  }
0x169: {  	v5 =	vand.u32 $0x7, v5;
	v6 =	vand.u32 $0xFFFFFFC0, v6  }
0x16a: {  	v5 =	vor.u32 v5, v6  }
0x16b: {  	v6 =	vperm.xlane v5, v2;
	_ =	sdelay $0x1  }
0x16c: {  	v6 =	vadd.s32 v3, v6;
	_ =	sdelay $0x4  }
0x16d: {  	[tilespmem:s10], [sflag:$0x1] =	stream.indirect_vreg.gather [hbm4b:s1+s3], $0x80, v6, vm0, $0xb8;
	[tilespmem:$0x11100] =	vst v63  }
0x16e: {  	v5 =	vperm.xlane v5, v4  }
0x16f: {  	[tilespmem:s18], [sflag:$0x1] =	stream.indirect_vreg.gather [hbm4b:s7+s3], $0x80, v6, vm0, $0xb8;
	[tilespmem:$0x11100] =	vst v63  }
0x170: {  	v5 =	vadd.s32 v3, v5  }
0x171: {  	[tilespmem:s25], [sflag:$0x1] =	stream.indirect_vreg.gather [hbm4b:s8+s3], $0x80, v6, vm0, $0xb8;
	[tilespmem:$0x11100] =	vst v63  }
0x172: {  	_ = 	snop  }
0x173: {  	[tilespmem:s26], [sflag:$0x1] =	stream.indirect_vreg.gather [hbm4b:s9+s3], $0x80, v6, vm0, $0xb8;
	[tilespmem:$0x11100] =	vst v63  }
0x174: {  	_ = 	snop  }
0x175: {  	[tilespmem:s21], [sflag:$0x1] =	stream.indirect_vreg.gather [hbm4b:s1+s3], $0x80, v5, vm0, $0xb8;
	[tilespmem:$0x11100] =	vst v63  }
0x176: {  	_ = 	snop  }
0x177: {  	[tilespmem:s11], [sflag:$0x1] =	stream.indirect_vreg.gather [hbm4b:s7+s3], $0x80, v5, vm0, $0xb8;
	[tilespmem:$0x11100] =	vst v63  }
0x178: {  	_ = 	snop  }
0x179: {  	[tilespmem:s28], [sflag:$0x1] =	stream.indirect_vreg.gather [hbm4b:s8+s3], $0x80, v5, vm0, $0xb8;
	[tilespmem:$0x11100] =	vst v63  }
0x17a: {  	_ = 	snop  }
0x17b: {  	[tilespmem:s29], [sflag:$0x1] =	stream.indirect_vreg.gather [hbm4b:s9+s3], $0x80, v5, vm0, $0xb8;
	[tilespmem:$0x11100] =	vst v63  }
0x17c: {  	v5 =	vld [tilespmem:$0x10D0];
	_ =	sdelay $0x4  }
0x17d: {  	v6 =	vshll.u32 v5, $0x3  }
0x17e: {  	v5 =	vand.u32 $0x7, v5;
	v6 =	vand.u32 $0xFFFFFFC0, v6  }
0x17f: {  	v5 =	vor.u32 v5, v6  }
0x180: {  	v6 =	vperm.xlane v5, v2;
	_ =	sdelay $0x1  }
0x181: {  	v6 =	vadd.s32 v3, v6;
	_ =	sdelay $0x4  }
0x182: {  	[tilespmem:s30], [sflag:$0x1] =	stream.indirect_vreg.gather [hbm4b:s1+s3], $0x80, v6, vm0, $0xb8;
	[tilespmem:$0x11100] =	vst v63  }
0x183: {  	v5 =	vperm.xlane v5, v4  }
0x184: {  	[tilespmem:s22], [sflag:$0x1] =	stream.indirect_vreg.gather [hbm4b:s7+s3], $0x80, v6, vm0, $0xb8;
	[tilespmem:$0x11100] =	vst v63  }
0x185: {  	v5 =	vadd.s32 v3, v5  }
0x186: {  	[tilespmem:s12], [sflag:$0x1] =	stream.indirect_vreg.gather [hbm4b:s8+s3], $0x80, v6, vm0, $0xb8;
	[tilespmem:$0x11100] =	vst v63  }
0x187: {  	_ = 	snop  }
0x188: {  	[tilespmem:s13], [sflag:$0x1] =	stream.indirect_vreg.gather [hbm4b:s9+s3], $0x80, v6, vm0, $0xb8;
	[tilespmem:$0x11100] =	vst v63  }
0x189: {  	_ = 	snop  }
0x18a: {  	[tilespmem:s14], [sflag:$0x1] =	stream.indirect_vreg.gather [hbm4b:s1+s3], $0x80, v5, vm0, $0xb8;
	[tilespmem:$0x11100] =	vst v63  }
0x18b: {  	s11 =	rddreg [dreg:$0xc]  }
0x18c: {  	[tilespmem:s15], [sflag:$0x1] =	stream.indirect_vreg.gather [hbm4b:s7+s3], $0x80, v5, vm0, $0xb8;
	[tilespmem:$0x11100] =	vst v63  }
0x18d: {  	s12 =	rddreg [dreg:$0xe]  }
0x18e: {  	[tilespmem:s16], [sflag:$0x1] =	stream.indirect_vreg.gather [hbm4b:s8+s3], $0x80, v5, vm0, $0xb8;
	[tilespmem:$0x11100] =	vst v63  }
0x18f: {  	s13 =	rddreg [dreg:$0x6]  }
0x190: {  	[tilespmem:s17], [sflag:$0x1] =	stream.indirect_vreg.gather [hbm4b:s9+s3], $0x80, v5, vm0, $0xb8;
	[tilespmem:$0x11100] =	vst v63  }
0x191: {  	s14 =	rddreg [dreg:$0xf];
	_ =	swait.ge [sflag:s2], $0x8000  }
0x192: {  	[sflag:s2] =	ssyncset.done $0x0  }
0x193: {  	[sflag:s2] =	ssyncadd.s32 $0xFFFF8000  }
0x194: {  	[hbm4b:s11+s3] =	stream.linear.scatter [tilespmem:s24], [sflag:$0x4], $0x8000, $0x38;
	[tilespmem:$0x11100] =	vst v63  }
0x195: {  	_ =	swait.ge [sflag:s20], $0x8000  }
0x196: {  	[sflag:s20] =	ssyncset.done $0x0  }
0x197: {  	[sflag:s20] =	ssyncadd.s32 $0xFFFF8000  }
0x198: {  	v5 =	vld [tilespmem:$0x10E0];
	_ =	sdelay $0x4  }
0x199: {  	v6 =	vshll.u32 v5, $0x3  }
0x19a: {  	v5 =	vand.u32 $0x7, v5;
	v6 =	vand.u32 $0xFFFFFFC0, v6  }
0x19b: {  	v5 =	vor.u32 v5, v6  }
0x19c: {  	v6 =	vperm.xlane v5, v2;
	_ =	sdelay $0x1  }
0x19d: {  	v6 =	vadd.s32 v3, v6;
	_ =	sdelay $0x4  }
0x19e: {  	[tilespmem:s24], [sflag:$0x2] =	stream.indirect_vreg.gather [hbm4b:s1+s3], $0x80, v6, vm0, $0xb8;
	[tilespmem:$0x11100] =	vst v63  }
0x19f: {  	s19 =	simm.s32 $0x9900;
	v5 =	vperm.xlane v5, v4  }
0x1a0: {  	[tilespmem:s19], [sflag:$0x2] =	stream.indirect_vreg.gather [hbm4b:s7+s3], $0x80, v6, vm0, $0xb8;
	[tilespmem:$0x11100] =	vst v63  }
0x1a1: {  	s21 =	simm.s32 $0xA100;
	v5 =	vadd.s32 v3, v5  }
0x1a2: {  	[tilespmem:s21], [sflag:$0x2] =	stream.indirect_vreg.gather [hbm4b:s8+s3], $0x80, v6, vm0, $0xb8;
	[tilespmem:$0x11100] =	vst v63  }
0x1a3: {  	s6 =	simm.s32 $0xA900  }
0x1a4: {  	[tilespmem:s6], [sflag:$0x2] =	stream.indirect_vreg.gather [hbm4b:s9+s3], $0x80, v6, vm0, $0xb8;
	[tilespmem:$0x11100] =	vst v63  }
0x1a5: {  	s5 =	simm.s32 $0xB100  }
0x1a6: {  	[tilespmem:s5], [sflag:$0x2] =	stream.indirect_vreg.gather [hbm4b:s1+s3], $0x80, v5, vm0, $0xb8;
	[tilespmem:$0x11100] =	vst v63  }
0x1a7: {  	s11 =	simm.s32 $0xB900  }
0x1a8: {  	[tilespmem:s11], [sflag:$0x2] =	stream.indirect_vreg.gather [hbm4b:s7+s3], $0x80, v5, vm0, $0xb8;
	[tilespmem:$0x11100] =	vst v63  }
0x1a9: {  	s23 =	simm.s32 $0xC100  }
0x1aa: {  	[tilespmem:s23], [sflag:$0x2] =	stream.indirect_vreg.gather [hbm4b:s8+s3], $0x80, v5, vm0, $0xb8;
	[tilespmem:$0x11100] =	vst v63  }
0x1ab: {  	s21 =	simm.s32 $0xC900  }
0x1ac: {  	[tilespmem:s21], [sflag:$0x2] =	stream.indirect_vreg.gather [hbm4b:s9+s3], $0x80, v5, vm0, $0xb8;
	[tilespmem:$0x11100] =	vst v63  }
0x1ad: {  	v5 =	vld [tilespmem:$0x10F0];
	_ =	sdelay $0x4  }
0x1ae: {  	v6 =	vshll.u32 v5, $0x3  }
0x1af: {  	v5 =	vand.u32 $0x7, v5;
	v6 =	vand.u32 $0xFFFFFFC0, v6  }
0x1b0: {  	v5 =	vor.u32 v5, v6  }
0x1b1: {  	v6 =	vperm.xlane v5, v2;
	_ =	sdelay $0x1  }
0x1b2: {  	v6 =	vadd.s32 v3, v6;
	_ =	sdelay $0x3  }
0x1b3: {  	s23 =	simm.s32 $0xD100  }
0x1b4: {  	[tilespmem:s23], [sflag:$0x2] =	stream.indirect_vreg.gather [hbm4b:s1+s3], $0x80, v6, vm0, $0xb8;
	[tilespmem:$0x11100] =	vst v63  }
0x1b5: {  	s6 =	simm.s32 $0xD900;
	v5 =	vperm.xlane v5, v4  }
0x1b6: {  	[tilespmem:s6], [sflag:$0x2] =	stream.indirect_vreg.gather [hbm4b:s7+s3], $0x80, v6, vm0, $0xb8;
	[tilespmem:$0x11100] =	vst v63  }
0x1b7: {  	s11 =	simm.s32 $0xE100;
	v5 =	vadd.s32 v3, v5  }
0x1b8: {  	[tilespmem:s11], [sflag:$0x2] =	stream.indirect_vreg.gather [hbm4b:s8+s3], $0x80, v6, vm0, $0xb8;
	[tilespmem:$0x11100] =	vst v63  }
0x1b9: {  	s21 =	simm.s32 $0xE900  }
0x1ba: {  	[tilespmem:s21], [sflag:$0x2] =	stream.indirect_vreg.gather [hbm4b:s9+s3], $0x80, v6, vm0, $0xb8;
	[tilespmem:$0x11100] =	vst v63  }
0x1bb: {  	s23 =	simm.s32 $0xF100  }
0x1bc: {  	[tilespmem:s23], [sflag:$0x2] =	stream.indirect_vreg.gather [hbm4b:s1+s3], $0x80, v5, vm0, $0xb8;
	[tilespmem:$0x11100] =	vst v63  }
0x1bd: {  	s6 =	simm.s32 $0xF900  }
0x1be: {  	[tilespmem:s6], [sflag:$0x2] =	stream.indirect_vreg.gather [hbm4b:s7+s3], $0x80, v5, vm0, $0xb8;
	[tilespmem:$0x11100] =	vst v63  }
0x1bf: {  	s11 =	simm.s32 $0x10100  }
0x1c0: {  	[tilespmem:s11], [sflag:$0x2] =	stream.indirect_vreg.gather [hbm4b:s8+s3], $0x80, v5, vm0, $0xb8;
	[tilespmem:$0x11100] =	vst v63  }
0x1c1: {  	s21 =	simm.s32 $0x10900  }
0x1c2: {  	[tilespmem:s21], [sflag:$0x2] =	stream.indirect_vreg.gather [hbm4b:s9+s3], $0x80, v5, vm0, $0xb8;
	[tilespmem:$0x11100] =	vst v63  }
0x1c3: {  	_ =	swait.ge [sflag:s31], $0x8000  }
0x1c4: {  	[sflag:s31] =	ssyncset.done $0x0  }
0x1c5: {  	s23 =	rddreg [dreg:$0xd];
	[sflag:s31] =	ssyncadd.s32 $0xFFFF8000  }
0x1c6: {  	[hbm4b:s23+s3] =	stream.linear.scatter [tilespmem:s10], [sflag:$0x3], $0x8000, $0x38;
	[tilespmem:$0x11100] =	vst v63  }
0x1c7: {  	_ =	swait.ge [sflag:s2], $0x8000  }
0x1c8: {  	[sflag:s2] =	ssyncset.done $0x0  }
0x1c9: {  	s4 =	sadd.s32 $0x1, s4;
	[sflag:s2] =	ssyncadd.s32 $0xFFFF8000  }
0x1ca: {  	[hbm4b:s12+s3] =	stream.linear.scatter [tilespmem:s24], [sflag:$0x4], $0x8000, $0x38;
	[tilespmem:$0x11100] =	vst v63  }
0x1cb: {  	p1 =	sne.s32 s4, s14;
	_ =	swait.ge [sflag:s0], $0x8000  }
.Ltmp1:
0x1cc: {  	[sflag:s0] =	ssyncset.done $0x0;
	(pc) =	sbr.rel @!p1 .LBB2_6-.Ltmp1, $4  }
0x1cd: {  	[sflag:s0] =	ssyncadd.s32 $0xFFFF8000  }
0x1ce: {  	_ =	swait.ge [sflag:s20], $0x8000  }
0x1cf: {  	[sflag:s20] =	ssyncset.done $0x0  }
0x1d0: {  	s19 =	simm.s32 $0x5;
	[sflag:s20] =	ssyncadd.s32 $0xFFFF8000  }
.LBB2_1:
.Ltmp2:
0x1d1: {  	(pc) =	sbr.rel @p0 .LBB2_5-.Ltmp2, $1  }
0x1d2: {  	_ =	sdelay $0x3  }
0x1d3: {  	s5 =	simm.s32 $0x0;
	s6 =	rddreg [dreg:$0x4]  }
0x1d4: {  	[tilespmem:s5], [sflag:$0x5] =	stream.linear.gather [hbm4b:s6+s5], $0x800, $0x38;
	[tilespmem:$0x11100] =	vst v63  }
0x1d5: {  	_ =	swait.ge [sflag:s19], $0x800  }
0x1d6: {  	[sflag:s19] =	ssyncset.done $0x0  }
0x1d7: {  	[sflag:s19] =	ssyncadd.s32 $0xFFFFF800  }
0x1d8: {  	v5 =	vld [tilespmem:s5+$0x0];
	_ =	sdelay $0x3  }
0x1d9: {  	v6 =	vor.u32 s5, v0  }
0x1da: {  	vm1 =	vlt.s32 v6, $0x1;
	v5 =	vadd.s32 $0xFFFFFFFC, v5  }
0x1db: {  	vm2 =	vlt.s32 v5, $0xFFFFFFFF;
	v5 =	vnsel vm1, $0x1, v6  }
0x1dc: {  	v7 =	vnsel vm2, $0x0, v5  }
0x1dd: {  	(xrf0) =	vadd.scan.msk.s32 $0xffff, v7;
	_ =	sdelay $0x5  }
0x1de: {  	v7, _, _ =	vpop (xrf0)  }
0x1df: {  	v7 =	vadd.s32 s5, v7  }
0x1e0: {  	v8 =	vxor.u32 $0xFFFFFFFF, v7  }
0x1e1: {  	v6 =	vadd.s32 v8, v6  }
0x1e2: {  	v8 =	vshra.s32 v6, $0x14  }
0x1e3: {  	v8 =	vand.u32 $0xFFFFF800, v8  }
0x1e4: {  	v6 =	vsub.s32 v6, v8  }
0x1e5: {  	v5 =	vmul.u32 v5, v6;
	_ =	sdelay $0x1  }
0x1e6: {  	s21 =	simm.s32 $0x800;
	v5 =	vadd.s32 v1, v5  }
0x1e7: {  	[tilespmem:s21+$0x0] =	vst v5;
	v5 =	vxor.u32 $0x80000000, v7  }
0x1e8: {  	s5 =	simm.s32 $0x10;
	(xrf0) =	vmax.scan.msk.u32 $0xffff, v5  }
0x1e9: {  	v7 =	vld [tilespmem:s5+$0x0];
	_ =	sdelay $0x4  }
0x1ea: {  	v5 =	vadd.s32 $0xFFFFFFFC, v7;
	v7, _, _ =	vpop (xrf0)  }
0x1eb: {  	(v2sf) =	vpush v7, $0xF;
	_ =	sdelay $0x5  }
0x1ec: {  	v6 =	vor.u32 s5, v0  }
0x1ed: {  	vm1 =	vlt.s32 v6, $0x1  }
0x1ee: {  	vm2 =	vlt.s32 v5, $0xFFFFFFFF;
	v5 =	vnsel vm1, $0x1, v6  }
0x1ef: {  	v8 =	vnsel vm2, $0x0, v5  }
0x1f0: {  	(xrf0) =	vadd.scan.msk.s32 $0xffff, v8;
	_ =	sdelay $0x1  }
0x1f1: {  	s11 =	simm.s32 $0x30;
	s6 =	simm.s32 $0x20  }
.LBB2_3:
0x1f2: {  	p1 =	sne.s32 s11, $0x7F0;
	_ =	sdelay $0x1  }
0x1f3: {  	s12 =	spop (v2sf)  }
0x1f4: {  	v7, _, _ =	vpop (xrf0);
	s12 =	sxor.u32 $0x80000000, s12  }
0x1f5: {  	v7 =	vadd.s32 s12, v7  }
0x1f6: {  	v8 =	vxor.u32 $0xFFFFFFFF, v7;
	v7 =	vxor.u32 $0x80000000, v7  }
0x1f7: {  	v6 =	vadd.s32 v8, v6;
	(xrf0) =	vmax.scan.msk.u32 $0xffff, v7  }
0x1f8: {  	v7 =	vshra.s32 v6, $0x14  }
0x1f9: {  	v7 =	vand.u32 $0xFFFFF800, v7  }
0x1fa: {  	v6 =	vsub.s32 v6, v7  }
0x1fb: {  	v5 =	vmul.u32 v5, v6;
	_ =	sdelay $0x1  }
0x1fc: {  	s21 =	sadd.s32 $0x10, s21;
	v5 =	vadd.s32 v1, v5;
	v6, _, _ =	vpop (xrf0)  }
0x1fd: {  	[tilespmem:s21+$0x0] =	vst v5;
	(v2sf) =	vpush v6, $0xF  }
0x1fe: {  	s5 =	sadd.s32 $0x10, s5  }
0x1ff: {  	v5 =	vld [tilespmem:s5+$0x0];
	_ =	sdelay $0x3  }
0x200: {  	v6 =	vor.u32 s6, v0;
	s6 =	smov.u32 s11  }
0x201: {  	vm1 =	vlt.s32 v6, $0x1;
	v5 =	vadd.s32 $0xFFFFFFFC, v5  }
.Ltmp3:
0x202: {  	vm2 =	vlt.s32 v5, $0xFFFFFFFF;
	v5 =	vnsel vm1, $0x1, v6;
	(pc) =	sbr.rel @p1 .LBB2_3-.Ltmp3, $3  }
0x203: {  	v7 =	vnsel vm2, $0x0, v5  }
0x204: {  	(xrf0) =	vadd.scan.msk.s32 $0xffff, v7;
	_ =	sdelay $0x1  }
0x205: {  	s11 =	sadd.s32 $0x10, s11  }
.Ltmp4:
0x206: {  	_ = 	snop;
	(pc) =	sbr.rel .LBB2_4-.Ltmp4, $1  }
0x207: {  	_ =	sdelay $0x3  }
.LBB2_6:
0x208: {  	_ =	sfence.sel $0x180000  }
0x209: {  	[bflag:$0x0] =	sbarrier.arrive $0xFFFF  }
0x20a: {  	_ =	strace $0x90000047  }
0x20b: {  	s0 =	stileid.u32;
	[bflag:$0x2] =	sbarrier.arrive $0xFFFF  }
0x20c: {  	p0 =	sne.s32 s0, $0x0;
	s0 =	rddreg [dreg:$0x3]  }
0x20d: {  	s0 =	sadd.s32 @!p0 $0x100000, s0  }
0x20e: {  	[sflag:s0] =	ssyncadd.tile.s32 @!p0 $0x1;
	_ =	shalt  }
.Lfunc_end2:
_tile_overlayer_lowered:
.L_overlay_start_2:
0x20f: {  	(tag) =	ssettag $0x2  }
0x210: {  	s0 =	rddreg [dreg:$0x0];
	s2 =	stileid.u32  }
0x211: {  	s1 =	rddreg [dreg:$0x1];
	p0 =	sne.s32 s2, $0x0  }
0x212: {  	s3 =	rddreg [dreg:$0x2];
	[bflag:$0x3] =	sbarrier.arrive $0xFFFF;
	s2 =	simm.s32 @!p0 $0x1C05  }
0x213: {  	[timem:s3], [sflag:s2] =	dma.local @!p0 [hbm:s0], s1  }
0x214: {  	s0 =	simm.s32 @!p0 $0x5  }
0x215: {  	_ =	swait.ge @!p0 [sflag:s0], s1  }
0x216: {  	s1 =	ssub.s32 @!p0 $0x0, s1;
	[sflag:s0] =	ssyncset.done @!p0 $0x0  }
0x217: {  	[sflag:s0] =	ssyncadd.s32 @!p0 s1  }
0x218: {  	[bflag:$0x3] =	sbarrier.arrive $0xFFFF  }
0x219: {  	_ =	shalt  }

// kernel: kernel.8.cloned.1.call-start
scs
__scs_entry_jumppad:
0x0: {  	(pc) =	sbr.rel $0x88, $3  }
0x1: {  	(tag) =	ssettag $0x0;
	lr =	simm.s32 $0x1  }
0x2: {  	[smem:$0x3F9C] =	sst lr;
	_ =	strace $0xD0000000  }
0x3: {  	_ = 	snop  }
0x4: {  	_ = 	snop  }
0x5: {  	_ = 	snop  }
0x6: {  	_ = 	snop  }
0x7: {  	_ = 	snop  }
__scs_overlays_trampoline_lowered:
0x8: {  	[smem:$0x3FAB] =	sst s0  }
0x9: {  	[smem:$0x3FAC] =	sst s1  }
0xa: {  	[smem:$0x3FAD] =	sst s2  }
0xb: {  	[smem:$0x3FAE] =	sst s3  }
0xc: {  	[smem:$0x3FAF] =	sst s4  }
0xd: {  	[smem:$0x3FB0] =	sst s5  }
0xe: {  	[smem:$0x3FB1] =	sst s6  }
0xf: {  	[smem:$0x3FB2] =	sst s7  }
0x10: {  	[smem:$0x3FB3] =	sst s8  }
0x11: {  	[smem:$0x3FB4] =	sst s9;
	s0 =	simm.s32 @!p0 $0x0  }
0x12: {  	s1 =	sld [smem:$0x3F9A];
	s0 =	simm.s32 @p0 $0x1  }
0x13: {  	[smem:$0x3FB5] =	sst s0;
	s0 =	simm.s32 @!p1 $0x0  }
0x14: {  	s2 =	sld [smem:$0x3F99];
	s0 =	simm.s32 @p1 $0x1  }
0x15: {  	[smem:$0x3FB6] =	sst s0;
	s0 =	simm.s32 @!p2 $0x0  }
0x16: {  	s3 =	sld [smem:$0x3FDB];
	s0 =	simm.s32 @p2 $0x1  }
0x17: {  	s4 =	simm.s32 $0x1BF5;
	[smem:$0x3FB8] =	sst s0  }
0x18: {  	s0 =	sld [smem:$0x3F9B];
	_ =	swait.ge [sflag:s4], $0x0  }
0x19: {  	s7 =	sld [smem:$0x3F9C]  }
0x1a: {  	s8 =	sadd.s32 $0xFFFFE003, lr  }
0x1b: {  	s9 =	sadd.s32 $0xFFFFFEF7, lr;
	s5 =	simm.s32 $0xFFFFFFFF;
	p2 =	slt.u32 s8, $0xFFFFF086  }
0x1c: {  	p1 =	slt.u32 s9, $0xF7A;
	s5 =	simm.s32 @!p2 $0x0  }
0x1d: {  	s5 =	simm.s32 @p1 $0x1;
	p0 =	seq.s32 s7, s2  }
0x1e: {  	s7 =	smul.u32 @!p0 $0xF7A, s2;
	p2 =	seq.s32 @!p0 s5, $0x0  }
0x1f: {  	s9 =	smul.u32 $0xF7A, s1;
	s8 =	simm.s32 @!p0 $0x1BF5;
	p2 =	por !p2, p0  }
0x20: {  	[sflag:s8] =	ssyncset.s32 @!p0 $0xFFFFF086;
	s6 =	sadd.s32 @!p0 s3, s7;
	s7 =	simm.s32 @!p0 $0x108  }
0x21: {  	s3 =	sadd.s32 s3, s9;
	s6 =	sadd.s32 @!p0 $0x88, s6;
	s7 =	simm.s32 @p2 $0x1082  }
0x22: {  	[simem:s7], [sflag:s8] =	dma.local @!p0 [hbm:s6], $0xF7A  }
0x23: {  	s9 =	sor.u32 $0xD0000000, s2;
	s6 =	simm.s32 $0x108;
	_ =	swait.ge @!p0 [sflag:s8], $0x0  }
0x24: {  	s3 =	sadd.s32 $0x88, s3;
	s6 =	simm.s32 @!p1 $0x1082;
	[sflag:s4] =	ssyncset.s32 $0xFFFFF086  }
0x25: {  	[simem:s6], [sflag:s4] =	dma.local [hbm:s3], $0xF7A  }
0x26: {  	[smem:$0x3F9C] =	sst s1;
	(tag) =	ssettag s2;
	_ =	strace s9  }
0x27: {  	s1 =	sld [smem:$0x3FAC]  }
0x28: {  	s2 =	sld [smem:$0x3FAD]  }
0x29: {  	s4 =	sld [smem:$0x3FAF]  }
0x2a: {  	p0 =	seq.s32 s5, $0x0;
	s5 =	sld [smem:$0x3FB0]  }
0x2b: {  	s6 =	sld [smem:$0x3FB1]  }
0x2c: {  	s7 =	sld [smem:$0x3FB2]  }
0x2d: {  	s3 =	simm.s32 $0x108;
	s8 =	sld [smem:$0x3FB3]  }
0x2e: {  	s3 =	simm.s32 @!p0 $0x1082;
	s9 =	sld [smem:$0x3FB4]  }
0x2f: {  	lr =	sadd.s32 s0, s3;
	s0 =	sld [smem:$0x3FAB]  }
0x30: {  	s3 =	sld [smem:$0x3FAE]  }
0x31: {  	[smem:$0x3FB7] =	sst s10  }
0x32: {  	s10 =	sld [smem:$0x3FB5];
	_ =	sdelay $0x3  }
0x33: {  	p0 =	seq.s32 s10, $0x1;
	s10 =	sld [smem:$0x3FB7];
	_ =	sdelay $0x3  }
0x34: {  	[smem:$0x3FB7] =	sst s10  }
0x35: {  	s10 =	sld [smem:$0x3FB6];
	_ =	sdelay $0x3  }
0x36: {  	p1 =	seq.s32 s10, $0x1;
	s10 =	sld [smem:$0x3FB7];
	_ =	sdelay $0x3  }
0x37: {  	[smem:$0x3FB7] =	sst s10  }
0x38: {  	s10 =	sld [smem:$0x3FB8]  }
0x39: {  	_ = 	snop;
	(pc) =	sbr.ind lr, $3  }
0x3a: {  	_ = 	snop  }
0x3b: {  	_ = 	snop  }
0x3c: {  	p2 =	seq.s32 s10, $0x1;
	s10 =	sld [smem:$0x3FB7]  }
0x3d: {  	_ =	shalt  }
0x3e: {  	_ =	shalt  }
0x3f: {  	_ =	shalt  }
0x40: {  	_ =	shalt  }
0x41: {  	_ =	shalt  }
0x42: {  	_ =	shalt  }
0x43: {  	_ =	shalt  }
0x44: {  	_ =	shalt  }
0x45: {  	_ =	shalt  }
0x46: {  	_ =	shalt  }
0x47: {  	_ =	shalt  }
0x48: {  	_ =	shalt  }
0x49: {  	_ =	shalt  }
0x4a: {  	_ =	shalt  }
0x4b: {  	_ =	shalt  }
0x4c: {  	_ =	shalt  }
0x4d: {  	_ =	shalt  }
0x4e: {  	_ =	shalt  }
0x4f: {  	_ =	shalt  }
0x50: {  	_ =	shalt  }
0x51: {  	_ =	shalt  }
0x52: {  	_ =	shalt  }
0x53: {  	_ =	shalt  }
0x54: {  	_ =	shalt  }
0x55: {  	_ =	shalt  }
0x56: {  	_ =	shalt  }
0x57: {  	_ =	shalt  }
0x58: {  	_ =	shalt  }
0x59: {  	_ =	shalt  }
0x5a: {  	_ =	shalt  }
0x5b: {  	_ =	shalt  }
0x5c: {  	_ =	shalt  }
0x5d: {  	_ =	shalt  }
0x5e: {  	_ =	shalt  }
0x5f: {  	_ =	shalt  }
0x60: {  	_ =	shalt  }
0x61: {  	_ =	shalt  }
0x62: {  	_ =	shalt  }
0x63: {  	_ =	shalt  }
0x64: {  	_ =	shalt  }
0x65: {  	_ =	shalt  }
0x66: {  	_ =	shalt  }
0x67: {  	_ =	shalt  }
0x68: {  	_ =	shalt  }
0x69: {  	_ =	shalt  }
0x6a: {  	_ =	shalt  }
0x6b: {  	_ =	shalt  }
0x6c: {  	_ =	shalt  }
0x6d: {  	_ =	shalt  }
0x6e: {  	_ =	shalt  }
0x6f: {  	_ =	shalt  }
0x70: {  	_ =	shalt  }
0x71: {  	_ =	shalt  }
0x72: {  	_ =	shalt  }
0x73: {  	_ =	shalt  }
0x74: {  	_ =	shalt  }
0x75: {  	_ =	shalt  }
0x76: {  	_ =	shalt  }
0x77: {  	_ =	shalt  }
0x78: {  	_ =	shalt  }
0x79: {  	_ =	shalt  }
0x7a: {  	_ =	shalt  }
0x7b: {  	_ =	shalt  }
0x7c: {  	_ =	shalt  }
0x7d: {  	_ =	shalt  }
0x7e: {  	_ =	shalt  }
0x7f: {  	_ =	shalt  }
0x80: {  	_ =	shalt  }
0x81: {  	_ =	shalt  }
0x82: {  	_ =	shalt  }
0x83: {  	_ =	shalt  }
0x84: {  	_ =	shalt  }
0x85: {  	_ =	shalt  }
0x86: {  	_ =	shalt  }
0x87: {  	_ =	shalt  }
.Lfunc_end0:
.L_simem_size_0:
called_computation.1_lowered:
.L_overlay_start_0:
0x88: {  	s2 =	sld [smem:$0x3FD9]  }
0x89: {  	s3 =	sld [smem:$0x3FFE];
	_ =	sdelay $0x1  }
0x8a: {  	s1 =	srdreg.scid  }
0x8b: {  	s0 =	sand.u32 $0x1, s1  }
0x8c: {  	s14 =	sshll.u32 s0, $0xA;
	s2 =	sadd.s32 s3, s2  }
0x8d: {  	s2 =	sadd.s32 s2, s14  }
0x8e: {  	[smem:$0x3FC3] =	sst s2  }
0x8f: {  	_ = 	snop  }
0x90: {  	s2 =	sld [smem:$0x3FD0];
	_ =	sdelay $0x2  }
0x91: {  	s15 =	simm.s32 $0xA;
	s4 =	simm.s32 $0x10  }
0x92: {  	[smem:s4], [sflag:s15] =	dma.local [hbm:s2], $0x1  }
0x93: {  	_ =	swait.eq [sflag:s15], $0x1  }
0x94: {  	[sflag:s15] =	ssyncset.done $0x0  }
0x95: {  	[sflag:s15] =	ssyncadd.s32 $0xFFFFFFFF  }
0x96: {  	s16 =	sld [smem:$0x11];
	(tm) =	ssettm $0x1  }
0x97: {  	s17 =	sld [smem:$0x3FFB];
	_ =	sdelay $0x3  }
0x98: {  	_ =	strace s17  }
0x99: {  	s3 =	sld [smem:$0x3FFC];
	_ =	sdelay $0x3  }
0x9a: {  	_ =	strace s3  }
0x9b: {  	s3 =	sld [smem:$0x3FFD];
	_ =	sdelay $0x3  }
0x9c: {  	_ =	strace s3  }
0x9d: {  	_ =	strace $0x8FFFFFFF  }
0x9e: {  	s18 =	sld [smem:$0x3FDB];
	_ =	sdelay $0x1  }
0x9f: {  	s19 =	simm.s32 $_scs_section_size  }
0xa0: {  	s5 =	simm.s32 $_size__tile_overlayer_lowered;
	s6 =	simm.s32 $_tile_overlayer_lowered  }
0xa1: {  	s22 =	simm.s32 $0x1BFF;
	s21 =	sshll.u32 s6, $0x1;
	s3 =	sadd.s32 s19, s18  }
0xa2: {  	s7 =	simm.s32 $0x0;
	s20 =	sshll.u32 s5, $0x1;
	s5 =	sadd.s32 s21, s3  }
0xa3: {  	[timem:s7], [sflag:s22] =	dma.local [hbm:s5], s20  }
0xa4: {  	_ =	swait.ge [sflag:s22], s20  }
0xa5: {  	s4 =	ssub.s32 $0x0, s20;
	[sflag:s22] =	ssyncset.done $0x0  }
0xa6: {  	[sflag:s22] =	ssyncadd.s32 s4;
	_ =	sdelay $0x1  }
0xa7: {  	s23 =	simm.s32 $0x1B8B  }
0xa8: {  	_ =	swait.ge [sflag:s23], $0x1  }
0xa9: {  	[sflag:s23] =	ssyncset.done $0x0  }
0xaa: {  	s25 =	simm.s32 $0x1B8E;
	s24 =	sld [smem:$0x3FFE];
	[sflag:s23] =	ssyncadd.s32 $0xFFFFFFFF  }
0xab: {  	s26 =	simm.s32 $execute0_lowered;
	[smem:$0x3FD2] =	sst s25  }
0xac: {  	s5 =	sshll.u32 s26, $0x1;
	_ =	strace $0x80000049;
	[dreg:$0x1] =	wrdreg $0xFFFFFFFF  }
0xad: {  	s28 =	simm.s32 $_size_execute0_lowered;
	s3 =	sadd.s32 s3, s5;
	[dreg:$0x0] =	wrdreg $0x0  }
0xae: {  	s5 =	sshll.u32 s28, $0x1;
	[dreg:$0x2] =	wrdreg s3  }
0xaf: {  	[dreg:$0x3] =	wrdreg s5  }
0xb0: {  	[dreg:$0x4] =	wrdreg $0xC0  }
0xb1: {  	_ =	task [dreg:s7], $0x5FFFF  }
0xb2: {  	[dreg:$0x1] =	wrdreg $0xFFFFFFFF  }
0xb3: {  	[dreg:$0x0] =	wrdreg $0x60  }
0xb4: {  	[dreg:$0x2] =	wrdreg s24  }
0xb5: {  	[dreg:$0x3] =	wrdreg s16  }
0xb6: {  	[dreg:$0x4] =	wrdreg $0x9  }
0xb7: {  	_ =	task.clear_ibuf [dreg:s7], $0x5FFFF;
	_ =	strace $0x90000049  }
0xb8: {  	s29 =	simm.s32 $0x9;
	_ =	strace $0x8000004B  }
0xb9: {  	_ =	swait.ge [sflag:s29], $0x1  }
0xba: {  	[sflag:s29] =	ssyncadd.s32 $0xFFFFFFFF  }
0xbb: {  	_ =	strace $0x9000004B  }
0xbc: {  	_ =	sfence  }
0xbd: {  	s30 =	sld [smem:$0x0];
	_ =	sdelay $0x2  }
0xbe: {  	s31 =	sshll.u32 s1, $0xD;
	s1 =	sshrl.u32 s1, $0x2  }
0xbf: {  	s3 =	sand.u32 $0x4000, s31;
	s1 =	sadd.s32 s1, s30  }
0xc0: {  	s0 =	sor.u32 s3, s0;
	s1 =	sshll.u32 s1, $0x11  }
0xc1: {  	s0 =	sor.u32 s1, s0  }
0xc2: {  	s0 =	sadd.s32 $0x8F2B, s0  }
0xc3: {  	[sflag:s0] =	ssyncadd.remote.s32 $0x1  }
0xc4: {  	_ =	sfence.sel $0xFFFF  }
0xc5: {  	[dreg:$0x0] =	wrdreg $0xFFFFFFFF;
	(pc) =	sbr.abs _section_cstart, $3  }
0xc6: {  	[dreg:$0x1] =	wrdreg $0xFFFFFFFF  }
0xc7: {  	_ =	task.clear_ibuf [dreg:s7], $0x2FFFF;
	_ =	strace $0x9FFFFFFF  }
0xc8: {  	(tm) =	ssettm $0x7FFFFFFF  }
0xc9: {  	_ =	shalt  }
tec
execute0_lowered:
.L_overlay_start_1:
0x0: {  	(tag) =	ssettag $0x1  }
0x1: {  	v1 =	vimm.s32 $0x0;
	vm0 =	vcmask $0x300;
	v13 =	vimm.s32 $0x4380  }
0x2: {  	vm14 =	vcmask $0x704;
	vm15 =	vcmask $0xB08;
	vm4 =	vcmask $0xF0C  }
0x3: {  	vm5 =	vcmask $0x1310;
	vm6 =	vcmask $0x1714;
	vm7 =	vcmask $0x1B18  }
0x4: {  	s1 =	srdreg.scid;
	vm8 =	vcmask $0x1F1C;
	vm9 =	vcmask $0x2320;
	vm10 =	vcmask $0x2724  }
0x5: {  	s0 =	stileid.u32;
	vm11 =	vcmask $0x2B28;
	vm12 =	vcmask $0x2F2C;
	s3 =	sand.u32 $0x1, s1;
	v13 =	vsel vm0, $0x0, v13  }
0x6: {  	vm13 =	vcmask $0x3330;
	v18 =	vimm.f32 $0.0e+00;
	s22 =	sshll.u32 s0, $0x9;
	s2 =	sshll.u32 s3, $0x8;
	v13 =	vsel vm14, $0x80, v13  }
0x7: {  	v15 =	vsel vm0, $0xB, v1;
	vm14 =	vcmask $0x3734;
	s15 =	sor.u32 s2, s22;
	v13 =	vsel vm15, $0x100, v13  }
0x8: {  	vm15 =	vcmask $0x3B38;
	v0 =	vmov s15;
	s4 =	sor.u32 $0x10, s15;
	s7 =	sor.u32 $0x20, s15;
	v13 =	vsel vm4, $0x180, v13  }
0x9: {  	s8 =	sor.u32 $0x30, s15;
	s9 =	sor.u32 $0x40, s15;
	s10 =	sor.u32 $0x50, s15;
	v0 =	vshrl.u32 v0, $0xB;
	v1 =	vmov s4;
	v2 =	vmov s7  }
0xa: {  	s11 =	sor.u32 $0x60, s15;
	s12 =	sor.u32 $0x70, s15;
	s13 =	sor.u32 $0x80, s15;
	v3 =	vmov s8;
	v4 =	vmov s9;
	v5 =	vmov s10  }
0xb: {  	s14 =	sor.u32 $0x90, s15;
	s16 =	sor.u32 $0xA0, s15;
	s17 =	sor.u32 $0xB0, s15;
	v6 =	vmov s11;
	v7 =	vmov s12;
	v8 =	vmov s13  }
0xc: {  	s18 =	sor.u32 $0xC0, s15;
	s26 =	sor.u32 $0xD0, s15;
	v9 =	vmov s14;
	v10 =	vmov s16;
	v11 =	vmov s17  }
0xd: {  	v12 =	vmov s18;
	v14 =	vmov s26;
	v16 =	vsel vm5, $0x200, v13  }
0xe: {  	v0 =	vshll.u32 v0, v15;
	v1 =	vshrl.u32 v1, $0xB;
	v2 =	vshrl.u32 v2, $0xB  }
0xf: {  	s5 =	rddreg [dreg:$0x0];
	v3 =	vshrl.u32 v3, $0xB;
	v4 =	vshrl.u32 v4, $0xB;
	v5 =	vshrl.u32 v5, $0xB  }
0x10: {  	s20 =	rddreg [dreg:$0x1];
	v6 =	vshrl.u32 v6, $0xB;
	v7 =	vshrl.u32 v7, $0xB;
	v8 =	vshrl.u32 v8, $0xB  }
0x11: {  	s1 =	rddreg [dreg:$0x2];
	s6 =	ssub.s32 $0x2, s3;
	s2 =	simm.s32 $0x0;
	v9 =	vshrl.u32 v9, $0xB;
	v10 =	vshrl.u32 v10, $0xB;
	v11 =	vshrl.u32 v11, $0xB  }
0x12: {  	s3 =	sadd.s32 $0x101A00, s5;
	s19 =	sshrl.u32 s6, $0x1;
	[smem:$0x7FF] =	sst s2;
	v12 =	vshrl.u32 v12, $0xB;
	v14 =	vshrl.u32 v14, $0xB;
	v0 =	vbroadcast v0, $0x0  }
0x13: {  	s23 =	sshrl.u32 s15, $0x3;
	s21 =	ssub.s32 s6, s19;
	s24 =	sshll.u32 s15, $0x8;
	v1 =	vshll.u32 v1, v15;
	v2 =	vshll.u32 v2, v15;
	v3 =	vshll.u32 v3, v15  }
0x14: {  	s28 =	sor.u32 $0xE0, s15;
	_ =	strace $0x8000004A;
	s22 =	sadd.s32 s23, s5;
	v4 =	vshll.u32 v4, v15;
	v5 =	vshll.u32 v5, v15;
	v6 =	vshll.u32 v6, v15  }
0x15: {  	s25 =	sshll.u32 s4, $0x8;
	s5 =	sadd.s32 s20, s24;
	s7 =	sshll.u32 s7, $0x8;
	v7 =	vshll.u32 v7, v15;
	v8 =	vshll.u32 v8, v15;
	v9 =	vshll.u32 v9, v15  }
0x16: {  	s8 =	sshll.u32 s8, $0x8;
	s9 =	sshll.u32 s9, $0x8;
	s10 =	sshll.u32 s10, $0x8;
	v10 =	vshll.u32 v10, v15;
	v11 =	vshll.u32 v11, v15;
	v12 =	vshll.u32 v12, v15  }
0x17: {  	s11 =	sshll.u32 s11, $0x8;
	s12 =	sshll.u32 s12, $0x8;
	s13 =	sshll.u32 s13, $0x8;
	v14 =	vshll.u32 v14, v15;
	v1 =	vbroadcast v1, $0x0;
	v2 =	vbroadcast v2, $0x0  }
0x18: {  	s14 =	sshll.u32 s14, $0x8;
	s16 =	sshll.u32 s16, $0x8;
	s17 =	sshll.u32 s17, $0x8;
	v3 =	vbroadcast v3, $0x0;
	v13 =	vbroadcast v14, $0x0;
	v14 =	vsel vm6, $0x280, v16  }
0x19: {  	s18 =	sshll.u32 s18, $0x8;
	s23 =	sor.u32 $0xF0, s15;
	s29 =	sshll.u32 s26, $0x8;
	v4 =	vbroadcast v4, $0x0;
	v16 =	vmov s28;
	v14 =	vsel vm7, $0x300, v14  }
0x1a: {  	s30 =	sshll.u32 s28, $0x8;
	s21 =	smax.u32 s21, $0x1;
	s24 =	simm.s32 $0x10000;
	v5 =	vbroadcast v5, $0x0;
	v16 =	vshrl.u32 v16, $0xB;
	v14 =	vsel vm8, $0x380, v14  }
0x1b: {  	s26 =	simm.s32 $0x2;
	s4 =	sadd.s32 $0x1600, s22;
	s6 =	sadd.s32 s20, s25;
	v6 =	vbroadcast v6, $0x0;
	v16 =	vshll.u32 v16, v15;
	v17 =	vsel vm9, $0x4000, v14  }
0x1c: {  	s7 =	sadd.s32 s20, s7;
	s8 =	sadd.s32 s20, s8;
	s9 =	sadd.s32 s20, s9;
	v7 =	vbroadcast v7, $0x0;
	v14 =	vbroadcast v16, $0x0;
	v16 =	vsel vm10, $0x4080, v17  }
0x1d: {  	s10 =	sadd.s32 s20, s10;
	s11 =	sadd.s32 s20, s11;
	s12 =	sadd.s32 s20, s12;
	v8 =	vbroadcast v8, $0x0;
	v9 =	vbroadcast v9, $0x0;
	v16 =	vsel vm11, $0x4100, v16  }
0x1e: {  	s13 =	sadd.s32 s20, s13;
	s14 =	sadd.s32 s20, s14;
	s15 =	sadd.s32 s20, s16;
	v10 =	vbroadcast v10, $0x0;
	v17 =	vmov s23;
	v16 =	vsel vm12, $0x4180, v16  }
0x1f: {  	s16 =	sadd.s32 s20, s17;
	s17 =	sadd.s32 s20, s18;
	s31 =	sshll.u32 s23, $0x8;
	v11 =	vbroadcast v11, $0x0;
	v17 =	vshrl.u32 v17, $0xB;
	v16 =	vsel vm13, $0x4200, v16  }
0x20: {  	s18 =	sadd.s32 s20, s29;
	s19 =	sadd.s32 s20, s30;
	s22 =	simm.s32 $0x3;
	v12 =	vbroadcast v12, $0x0;
	v15 =	vshll.u32 v17, v15;
	v16 =	vsel vm14, $0x4280, v16  }
0x21: {  	s25 =	simm.s32 $0x1;
	s20 =	sadd.s32 s20, s31;
	s23 =	simm.s32 $0x8000;
	v17 =	vimm.f32 $1.000000000e+00;
	v15 =	vbroadcast v15, $0x0;
	v16 =	vsel vm15, $0x4300, v16  }
.LBB2_1:
0x22: {  	[tilespmem:s2], [sflag:$0x3] =	stream.linear.gather [hbm4b:s3+s2], $0x8000, $0x38;
	[tilespmem:$0x10100] =	vst v63  }
0x23: {  	_ =	swait.ge [sflag:s22], $0x8000  }
0x24: {  	[sflag:s22] =	ssyncset.done $0x0  }
0x25: {  	[sflag:s22] =	ssyncadd.s32 $0xFFFF8000  }
0x26: {  	[tilespmem:s23], [sflag:$0x3] =	stream.linear.gather [hbm4b:s3+s2], $0x8000, $0x38;
	[tilespmem:$0x10100] =	vst v63  }
0x27: {  	_ =	swait.ge [sflag:s22], $0x8000  }
0x28: {  	[sflag:s22] =	ssyncset.done $0x0  }
0x29: {  	[sflag:s22] =	ssyncadd.s32 $0xFFFF8000  }
0x2a: {  	[tilespmem:s24], [sflag:$0x3] =	stream.linear.gather [hbm4b:s4+s2], $0x100, $0x38;
	[tilespmem:$0x10100] =	vst v63  }
0x2b: {  	_ =	swait.ge [sflag:s22], $0x100  }
0x2c: {  	[sflag:s22] =	ssyncset.done $0x0  }
0x2d: {  	[sflag:s22] =	ssyncadd.s32 $0xFFFFFF00  }
0x2e: {  	v19 =	vld [tilespmem:$0x10000];
	_ =	sdelay $0x4  }
0x2f: {  	v20 =	vsub.s32 v19, v0  }
0x30: {  	v20 =	vshll.u32 v20, $0x3  }
0x31: {  	v19 =	vand.u32 $0x7F, v19;
	v20 =	vand.u32 $0xFFFFFC00, v20  }
0x32: {  	v19 =	vor.u32 v19, v20  }
0x33: {  	v19 =	vadd.s32 v16, v19;
	_ =	sdelay $0x4  }
0x34: {  	[tilespmem:v19+s2+$0x0] =	vst.idx.msk $0xffff, v17  }
0x35: {  	[hbm4b:s5+s2] =	stream.linear.scatter [tilespmem:s2], [sflag:$0x1], $0x8000, $0x38;
	[tilespmem:$0x10100] =	vst v63  }
0x36: {  	v20 =	vld [tilespmem:$0x10010];
	_ =	sdelay $0x4  }
0x37: {  	v21 =	vsub.s32 v20, v1  }
0x38: {  	v21 =	vshll.u32 v21, $0x3  }
0x39: {  	v20 =	vand.u32 $0x7F, v20;
	v21 =	vand.u32 $0xFFFFFC00, v21  }
0x3a: {  	v20 =	vor.u32 v20, v21  }
0x3b: {  	v20 =	vadd.s32 v16, v20;
	_ =	sdelay $0x4  }
0x3c: {  	[tilespmem:v20+s23+$0x0] =	vst.idx.msk $0xffff, v17  }
0x3d: {  	[hbm4b:s6+s2] =	stream.linear.scatter [tilespmem:s23], [sflag:$0x2], $0x8000, $0x38;
	[tilespmem:$0x10100] =	vst v63  }
0x3e: {  	_ =	swait.ge [sflag:s25], $0x8000  }
0x3f: {  	[sflag:s25] =	ssyncset.done $0x0  }
0x40: {  	[sflag:s25] =	ssyncadd.s32 $0xFFFF8000  }
0x41: {  	[tilespmem:v19+s2+$0x0] =	vst.idx.msk $0xffff, v18  }
0x42: {  	v19 =	vld [tilespmem:$0x10020];
	_ =	sdelay $0x4  }
0x43: {  	v51 =	vsub.s32 v19, v2  }
0x44: {  	v21 =	vshll.u32 v51, $0x3  }
0x45: {  	v19 =	vand.u32 $0x7F, v19;
	v21 =	vand.u32 $0xFFFFFC00, v21  }
0x46: {  	v19 =	vor.u32 v19, v21  }
0x47: {  	v19 =	vadd.s32 v16, v19;
	_ =	sdelay $0x4  }
0x48: {  	[tilespmem:v19+s2+$0x0] =	vst.idx.msk $0xffff, v17  }
0x49: {  	[hbm4b:s7+s2] =	stream.linear.scatter [tilespmem:s2], [sflag:$0x1], $0x8000, $0x38;
	[tilespmem:$0x10100] =	vst v63  }
0x4a: {  	_ =	swait.ge [sflag:s26], $0x8000  }
0x4b: {  	[sflag:s26] =	ssyncset.done $0x0  }
0x4c: {  	[sflag:s26] =	ssyncadd.s32 $0xFFFF8000  }
0x4d: {  	[tilespmem:v20+s23+$0x0] =	vst.idx.msk $0xffff, v18  }
0x4e: {  	v20 =	vld [tilespmem:$0x10030];
	_ =	sdelay $0x4  }
0x4f: {  	v52 =	vsub.s32 v20, v3  }
0x50: {  	v21 =	vshll.u32 v52, $0x3  }
0x51: {  	v20 =	vand.u32 $0x7F, v20;
	v21 =	vand.u32 $0xFFFFFC00, v21  }
0x52: {  	v20 =	vor.u32 v20, v21  }
0x53: {  	v20 =	vadd.s32 v16, v20;
	_ =	sdelay $0x4  }
0x54: {  	[tilespmem:v20+s23+$0x0] =	vst.idx.msk $0xffff, v17  }
0x55: {  	[hbm4b:s8+s2] =	stream.linear.scatter [tilespmem:s23], [sflag:$0x2], $0x8000, $0x38;
	[tilespmem:$0x10100] =	vst v63  }
0x56: {  	_ =	swait.ge [sflag:s25], $0x8000  }
0x57: {  	[sflag:s25] =	ssyncset.done $0x0  }
0x58: {  	[sflag:s25] =	ssyncadd.s32 $0xFFFF8000  }
0x59: {  	[tilespmem:v19+s2+$0x0] =	vst.idx.msk $0xffff, v18  }
0x5a: {  	v19 =	vld [tilespmem:$0x10040];
	_ =	sdelay $0x4  }
0x5b: {  	v53 =	vsub.s32 v19, v4  }
0x5c: {  	v21 =	vshll.u32 v53, $0x3  }
0x5d: {  	v19 =	vand.u32 $0x7F, v19;
	v21 =	vand.u32 $0xFFFFFC00, v21  }
0x5e: {  	v19 =	vor.u32 v19, v21  }
0x5f: {  	v19 =	vadd.s32 v16, v19;
	_ =	sdelay $0x4  }
0x60: {  	[tilespmem:v19+s2+$0x0] =	vst.idx.msk $0xffff, v17  }
0x61: {  	[hbm4b:s9+s2] =	stream.linear.scatter [tilespmem:s2], [sflag:$0x1], $0x8000, $0x38;
	[tilespmem:$0x10100] =	vst v63  }
0x62: {  	_ =	swait.ge [sflag:s26], $0x8000  }
0x63: {  	[sflag:s26] =	ssyncset.done $0x0  }
0x64: {  	[sflag:s26] =	ssyncadd.s32 $0xFFFF8000  }
0x65: {  	[tilespmem:v20+s23+$0x0] =	vst.idx.msk $0xffff, v18  }
0x66: {  	v20 =	vld [tilespmem:$0x10050];
	_ =	sdelay $0x4  }
0x67: {  	v54 =	vsub.s32 v20, v5  }
0x68: {  	v21 =	vshll.u32 v54, $0x3  }
0x69: {  	v20 =	vand.u32 $0x7F, v20;
	v21 =	vand.u32 $0xFFFFFC00, v21  }
0x6a: {  	v20 =	vor.u32 v20, v21  }
0x6b: {  	v20 =	vadd.s32 v16, v20;
	_ =	sdelay $0x4  }
0x6c: {  	[tilespmem:v20+s23+$0x0] =	vst.idx.msk $0xffff, v17  }
0x6d: {  	[hbm4b:s10+s2] =	stream.linear.scatter [tilespmem:s23], [sflag:$0x2], $0x8000, $0x38;
	[tilespmem:$0x10100] =	vst v63  }
0x6e: {  	_ =	swait.ge [sflag:s25], $0x8000  }
0x6f: {  	[sflag:s25] =	ssyncset.done $0x0  }
0x70: {  	[sflag:s25] =	ssyncadd.s32 $0xFFFF8000  }
0x71: {  	[tilespmem:v19+s2+$0x0] =	vst.idx.msk $0xffff, v18  }
0x72: {  	v19 =	vld [tilespmem:$0x10060];
	_ =	sdelay $0x4  }
0x73: {  	v55 =	vsub.s32 v19, v6  }
0x74: {  	v21 =	vshll.u32 v55, $0x3  }
0x75: {  	v19 =	vand.u32 $0x7F, v19;
	v21 =	vand.u32 $0xFFFFFC00, v21  }
0x76: {  	v19 =	vor.u32 v19, v21  }
0x77: {  	v19 =	vadd.s32 v16, v19;
	_ =	sdelay $0x4  }
0x78: {  	[tilespmem:v19+s2+$0x0] =	vst.idx.msk $0xffff, v17  }
0x79: {  	[hbm4b:s11+s2] =	stream.linear.scatter [tilespmem:s2], [sflag:$0x1], $0x8000, $0x38;
	[tilespmem:$0x10100] =	vst v63  }
0x7a: {  	_ =	swait.ge [sflag:s26], $0x8000  }
0x7b: {  	[sflag:s26] =	ssyncset.done $0x0  }
0x7c: {  	[sflag:s26] =	ssyncadd.s32 $0xFFFF8000  }
0x7d: {  	[tilespmem:v20+s23+$0x0] =	vst.idx.msk $0xffff, v18  }
0x7e: {  	v20 =	vld [tilespmem:$0x10070];
	_ =	sdelay $0x4  }
0x7f: {  	v56 =	vsub.s32 v20, v7  }
0x80: {  	v21 =	vshll.u32 v56, $0x3  }
0x81: {  	v20 =	vand.u32 $0x7F, v20;
	v21 =	vand.u32 $0xFFFFFC00, v21  }
0x82: {  	v20 =	vor.u32 v20, v21  }
0x83: {  	v20 =	vadd.s32 v16, v20;
	_ =	sdelay $0x4  }
0x84: {  	[tilespmem:v20+s23+$0x0] =	vst.idx.msk $0xffff, v17  }
0x85: {  	[hbm4b:s12+s2] =	stream.linear.scatter [tilespmem:s23], [sflag:$0x2], $0x8000, $0x38;
	[tilespmem:$0x10100] =	vst v63  }
0x86: {  	_ =	swait.ge [sflag:s25], $0x8000  }
0x87: {  	[sflag:s25] =	ssyncset.done $0x0  }
0x88: {  	[sflag:s25] =	ssyncadd.s32 $0xFFFF8000  }
0x89: {  	[tilespmem:v19+s2+$0x0] =	vst.idx.msk $0xffff, v18  }
0x8a: {  	v19 =	vld [tilespmem:$0x10080];
	_ =	sdelay $0x4  }
0x8b: {  	v57 =	vsub.s32 v19, v8  }
0x8c: {  	v21 =	vshll.u32 v57, $0x3  }
0x8d: {  	v19 =	vand.u32 $0x7F, v19;
	v21 =	vand.u32 $0xFFFFFC00, v21  }
0x8e: {  	v19 =	vor.u32 v19, v21  }
0x8f: {  	v19 =	vadd.s32 v16, v19;
	_ =	sdelay $0x4  }
0x90: {  	[tilespmem:v19+s2+$0x0] =	vst.idx.msk $0xffff, v17  }
0x91: {  	[hbm4b:s13+s2] =	stream.linear.scatter [tilespmem:s2], [sflag:$0x1], $0x8000, $0x38;
	[tilespmem:$0x10100] =	vst v63  }
0x92: {  	_ =	swait.ge [sflag:s26], $0x8000  }
0x93: {  	[sflag:s26] =	ssyncset.done $0x0  }
0x94: {  	[sflag:s26] =	ssyncadd.s32 $0xFFFF8000  }
0x95: {  	[tilespmem:v20+s23+$0x0] =	vst.idx.msk $0xffff, v18  }
0x96: {  	v20 =	vld [tilespmem:$0x10090];
	_ =	sdelay $0x4  }
0x97: {  	v58 =	vsub.s32 v20, v9  }
0x98: {  	v21 =	vshll.u32 v58, $0x3  }
0x99: {  	v20 =	vand.u32 $0x7F, v20;
	v21 =	vand.u32 $0xFFFFFC00, v21  }
0x9a: {  	v20 =	vor.u32 v20, v21  }
0x9b: {  	v20 =	vadd.s32 v16, v20;
	_ =	sdelay $0x4  }
0x9c: {  	[tilespmem:v20+s23+$0x0] =	vst.idx.msk $0xffff, v17  }
0x9d: {  	[hbm4b:s14+s2] =	stream.linear.scatter [tilespmem:s23], [sflag:$0x2], $0x8000, $0x38;
	[tilespmem:$0x10100] =	vst v63  }
0x9e: {  	_ =	swait.ge [sflag:s25], $0x8000  }
0x9f: {  	[sflag:s25] =	ssyncset.done $0x0  }
0xa0: {  	[sflag:s25] =	ssyncadd.s32 $0xFFFF8000  }
0xa1: {  	[tilespmem:v19+s2+$0x0] =	vst.idx.msk $0xffff, v18  }
0xa2: {  	v19 =	vld [tilespmem:$0x100A0];
	_ =	sdelay $0x4  }
0xa3: {  	v59 =	vsub.s32 v19, v10  }
0xa4: {  	v21 =	vshll.u32 v59, $0x3  }
0xa5: {  	v19 =	vand.u32 $0x7F, v19;
	v21 =	vand.u32 $0xFFFFFC00, v21  }
0xa6: {  	v19 =	vor.u32 v19, v21  }
0xa7: {  	v19 =	vadd.s32 v16, v19;
	_ =	sdelay $0x4  }
0xa8: {  	[tilespmem:v19+s2+$0x0] =	vst.idx.msk $0xffff, v17  }
0xa9: {  	[hbm4b:s15+s2] =	stream.linear.scatter [tilespmem:s2], [sflag:$0x1], $0x8000, $0x38;
	[tilespmem:$0x10100] =	vst v63  }
0xaa: {  	_ =	swait.ge [sflag:s26], $0x8000  }
0xab: {  	[sflag:s26] =	ssyncset.done $0x0  }
0xac: {  	[sflag:s26] =	ssyncadd.s32 $0xFFFF8000  }
0xad: {  	[tilespmem:v20+s23+$0x0] =	vst.idx.msk $0xffff, v18  }
0xae: {  	v20 =	vld [tilespmem:$0x100B0];
	_ =	sdelay $0x4  }
0xaf: {  	v60 =	vsub.s32 v20, v11  }
0xb0: {  	v21 =	vshll.u32 v60, $0x3  }
0xb1: {  	v20 =	vand.u32 $0x7F, v20;
	v21 =	vand.u32 $0xFFFFFC00, v21  }
0xb2: {  	v20 =	vor.u32 v20, v21  }
0xb3: {  	v20 =	vadd.s32 v16, v20;
	_ =	sdelay $0x4  }
0xb4: {  	[tilespmem:v20+s23+$0x0] =	vst.idx.msk $0xffff, v17  }
0xb5: {  	[hbm4b:s16+s2] =	stream.linear.scatter [tilespmem:s23], [sflag:$0x2], $0x8000, $0x38;
	[tilespmem:$0x10100] =	vst v63  }
0xb6: {  	_ =	swait.ge [sflag:s25], $0x8000  }
0xb7: {  	[sflag:s25] =	ssyncset.done $0x0  }
0xb8: {  	[sflag:s25] =	ssyncadd.s32 $0xFFFF8000  }
0xb9: {  	[tilespmem:v19+s2+$0x0] =	vst.idx.msk $0xffff, v18  }
0xba: {  	v19 =	vld [tilespmem:$0x100C0];
	_ =	sdelay $0x4  }
0xbb: {  	v61 =	vsub.s32 v19, v12  }
0xbc: {  	v21 =	vshll.u32 v61, $0x3  }
0xbd: {  	v19 =	vand.u32 $0x7F, v19;
	v21 =	vand.u32 $0xFFFFFC00, v21  }
0xbe: {  	v19 =	vor.u32 v19, v21  }
0xbf: {  	v19 =	vadd.s32 v16, v19;
	_ =	sdelay $0x4  }
0xc0: {  	[tilespmem:v19+s2+$0x0] =	vst.idx.msk $0xffff, v17  }
0xc1: {  	[hbm4b:s17+s2] =	stream.linear.scatter [tilespmem:s2], [sflag:$0x1], $0x8000, $0x38;
	[tilespmem:$0x10100] =	vst v63  }
0xc2: {  	_ =	swait.ge [sflag:s26], $0x8000  }
0xc3: {  	[sflag:s26] =	ssyncset.done $0x0  }
0xc4: {  	[sflag:s26] =	ssyncadd.s32 $0xFFFF8000  }
0xc5: {  	[tilespmem:v20+s23+$0x0] =	vst.idx.msk $0xffff, v18  }
0xc6: {  	v20 =	vld [tilespmem:$0x100D0];
	_ =	sdelay $0x4  }
0xc7: {  	v62 =	vsub.s32 v20, v13  }
0xc8: {  	v21 =	vshll.u32 v62, $0x3  }
0xc9: {  	v20 =	vand.u32 $0x7F, v20;
	v21 =	vand.u32 $0xFFFFFC00, v21  }
0xca: {  	v20 =	vor.u32 v20, v21  }
0xcb: {  	v20 =	vadd.s32 v16, v20;
	_ =	sdelay $0x4  }
0xcc: {  	[tilespmem:v20+s23+$0x0] =	vst.idx.msk $0xffff, v17  }
0xcd: {  	[hbm4b:s18+s2] =	stream.linear.scatter [tilespmem:s23], [sflag:$0x2], $0x8000, $0x38;
	[tilespmem:$0x10100] =	vst v63  }
0xce: {  	_ =	swait.ge [sflag:s25], $0x8000  }
0xcf: {  	[sflag:s25] =	ssyncset.done $0x0  }
0xd0: {  	[sflag:s25] =	ssyncadd.s32 $0xFFFF8000  }
0xd1: {  	[tilespmem:v19+s2+$0x0] =	vst.idx.msk $0xffff, v18  }
0xd2: {  	v19 =	vld [tilespmem:$0x100E0];
	_ =	sdelay $0x4  }
0xd3: {  	v63 =	vsub.s32 v19, v14  }
0xd4: {  	v21 =	vshll.u32 v63, $0x3  }
0xd5: {  	v19 =	vand.u32 $0x7F, v19;
	v21 =	vand.u32 $0xFFFFFC00, v21  }
0xd6: {  	v19 =	vor.u32 v19, v21  }
0xd7: {  	v19 =	vadd.s32 v16, v19;
	_ =	sdelay $0x4  }
0xd8: {  	[tilespmem:v19+s2+$0x0] =	vst.idx.msk $0xffff, v17  }
0xd9: {  	[hbm4b:s19+s2] =	stream.linear.scatter [tilespmem:s2], [sflag:$0x1], $0x8000, $0x38;
	[tilespmem:$0x10100] =	vst v63  }
0xda: {  	_ =	swait.ge [sflag:s26], $0x8000  }
0xdb: {  	[sflag:s26] =	ssyncset.done $0x0  }
0xdc: {  	[sflag:s26] =	ssyncadd.s32 $0xFFFF8000  }
0xdd: {  	[tilespmem:v20+s23+$0x0] =	vst.idx.msk $0xffff, v18  }
0xde: {  	v19 =	vld [tilespmem:$0x100F0];
	_ =	sdelay $0x4  }
0xdf: {  	v20 =	vsub.s32 v19, v15  }
0xe0: {  	v20 =	vshll.u32 v20, $0x3  }
0xe1: {  	v19 =	vand.u32 $0x7F, v19;
	v20 =	vand.u32 $0xFFFFFC00, v20  }
0xe2: {  	v19 =	vor.u32 v19, v20  }
0xe3: {  	v19 =	vadd.s32 v16, v19;
	_ =	sdelay $0x4  }
0xe4: {  	[tilespmem:v19+s23+$0x0] =	vst.idx.msk $0xffff, v17  }
0xe5: {  	[hbm4b:s20+s2] =	stream.linear.scatter [tilespmem:s23], [sflag:$0x2], $0x8000, $0x38;
	[tilespmem:$0x10100] =	vst v63  }
0xe6: {  	p0 =	sne.s32 s21, $0x1;
	_ =	swait.ge [sflag:s25], $0x8000  }
.Ltmp0:
0xe7: {  	[sflag:s25] =	ssyncset.done $0x0;
	(pc) =	sbr.rel @p0 .LBB2_1-.Ltmp0, $4  }
0xe8: {  	[sflag:s25] =	ssyncadd.s32 $0xFFFF8000  }
0xe9: {  	_ =	swait.ge [sflag:s26], $0x8000  }
0xea: {  	[sflag:s26] =	ssyncset.done $0x0  }
0xeb: {  	s21 =	sadd.s32 $0xFFFFFFFF, s21;
	[sflag:s26] =	ssyncadd.s32 $0xFFFF8000  }
0xec: {  	_ =	sfence.sel $0x180000  }
0xed: {  	[bflag:$0x0] =	sbarrier.arrive $0xFFFF  }
0xee: {  	p0 =	sne.s32 s0, $0x0;
	_ =	strace $0x9000004A  }
0xef: {  	s0 =	sadd.s32 @!p0 $0x100000, s1;
	[bflag:$0x2] =	sbarrier.arrive $0xFFFF  }
0xf0: {  	[sflag:s0] =	ssyncadd.tile.s32 @!p0 $0x1;
	_ =	shalt  }
.Lfunc_end2:
_tile_overlayer_lowered:
.L_overlay_start_2:
0xf1: {  	(tag) =	ssettag $0x2  }
0xf2: {  	s0 =	rddreg [dreg:$0x0];
	s2 =	stileid.u32  }
0xf3: {  	s1 =	rddreg [dreg:$0x1];
	p0 =	sne.s32 s2, $0x0  }
0xf4: {  	s3 =	rddreg [dreg:$0x2];
	[bflag:$0x3] =	sbarrier.arrive $0xFFFF;
	s2 =	simm.s32 @!p0 $0x1C03  }
0xf5: {  	[timem:s3], [sflag:s2] =	dma.local @!p0 [hbm:s0], s1  }
0xf6: {  	s0 =	simm.s32 @!p0 $0x3  }
0xf7: {  	_ =	swait.ge @!p0 [sflag:s0], s1  }
0xf8: {  	s1 =	ssub.s32 @!p0 $0x0, s1;
	[sflag:s0] =	ssyncset.done @!p0 $0x0  }
0xf9: {  	[sflag:s0] =	ssyncadd.s32 @!p0 s1  }
0xfa: {  	[bflag:$0x3] =	sbarrier.arrive $0xFFFF  }
0xfb: {  	_ =	shalt  }

</sc_bundles>
